<compile_context>
chip_gen: v7x
topology: tpu7x:2x2x1
jax: 0.10.2.dev20260603
libtpu: 0.0.44.dev20260713+nightly
codegen_flags: <defaults>
</compile_context>

<pallas_src>
import functools

import jax
import jax.numpy as jnp
from jax import lax
from jax.experimental import pallas as pl
from jax.experimental.pallas import tpu as pltpu
from jax.experimental.pallas import tpu_sc as plsc

B = 1024
L = 50
V = 100000
R = 16
D = 128
F = 256
E = 8
K = 2
H1 = 512
H2 = 512
O = 256
C = 16

N_ROWS = B * L
NHALF = 2
HROWS = N_ROWS // NHALF
HB = B // NHALF
_NC = 2
_NS = 16
_NW = _NC * _NS
CHUNK = 128

_HI = lax.Precision.HIGHEST


def _b16(a):
    return a.astype(jnp.bfloat16).astype(jnp.float32)


NBUF = 4


@functools.cache
def _build_sc_gather(n_rows):
    rows_per_w = n_rows // _NW
    nchunk = rows_per_w // CHUNK
    tail = rows_per_w - nchunk * CHUNK

    def body(table_hbm, idx_hbm, out_hbm, *scr):
        wid = lax.axis_index("s") * _NC + lax.axis_index("c")
        base = wid * rows_per_w
        idxs = scr[0:NBUF]
        rows = scr[NBUF:2 * NBUF]
        gsems = scr[2 * NBUF:3 * NBUF]
        wsems = scr[3 * NBUF:4 * NBUF]

        def fire(j, s):
            off = base + j * CHUNK
            pltpu.sync_copy(idx_hbm.at[pl.ds(off, CHUNK)], idxs[s])
            return pltpu.async_copy(table_hbm.at[idxs[s]], rows[s], gsems[s])

        tail_cp = None
        if tail:
            idx_t, rows_t, gsem_t = scr[4 * NBUF:4 * NBUF + 3]
            toff = base + nchunk * CHUNK
            pltpu.sync_copy(idx_hbm.at[pl.ds(toff, tail)], idx_t)
            tail_cp = pltpu.async_copy(table_hbm.at[idx_t], rows_t, gsem_t)

        cps = [None] * NBUF
        wcs = [None] * NBUF
        for j in range(min(NBUF - 1, nchunk)):
            cps[j] = fire(j, j)
        for j in range(nchunk):
            s = j % NBUF
            cps[s].wait()
            wcs[s] = pltpu.async_copy(
                rows[s], out_hbm.at[pl.ds(base + j * CHUNK, CHUNK)],
                wsems[s])
            nj = j + NBUF - 1
            if nj < nchunk:
                sn = nj % NBUF
                if wcs[sn] is not None:
                    wcs[sn].wait()
                cps[sn] = fire(nj, sn)
        if tail:
            tail_cp.wait()
            pltpu.sync_copy(
                rows_t, out_hbm.at[pl.ds(base + nchunk * CHUNK, tail)])
        for s in range(NBUF):
            if wcs[s] is not None:
                wcs[s].wait()

    scratch = (
        [pltpu.VMEM((CHUNK,), jnp.int32) for _ in range(NBUF)]
        + [pltpu.VMEM((CHUNK, D), jnp.float32) for _ in range(NBUF)]
        + [pltpu.SemaphoreType.DMA for _ in range(2 * NBUF)]
    )
    if rows_per_w % CHUNK:
        t = rows_per_w % CHUNK
        scratch += [pltpu.VMEM((t,), jnp.int32),
                    pltpu.VMEM((t, D), jnp.float32),
                    pltpu.SemaphoreType.DMA]

    return functools.partial(
        pl.kernel,
        mesh=plsc.VectorSubcoreMesh(core_axis_name="c",
                                    subcore_axis_name="s"),
        out_type=jax.ShapeDtypeStruct((n_rows, D), jnp.float32),
        scratch_types=scratch,
    )(body)


NRB = 3200


def _proj_body(xg_ref, ridx_ref, rt_ref, Wq_ref, bq_ref, Wk_ref, bk_ref,
               Wv_ref, bv_ref, gctx_ref, score_ref, values_ref):
    f32 = jnp.float32
    oh = (ridx_ref[:] == lax.broadcasted_iota(jnp.int32, (1, R), 1))
    role = jnp.dot(oh.astype(f32), rt_ref[:], preferred_element_type=f32,
                   precision=_HI)
    x2 = xg_ref[:] + role
    q = jnp.dot(gctx_ref[:], Wq_ref[:], preferred_element_type=f32) \
        + bq_ref[:]
    keys = jnp.dot(x2, Wk_ref[:], preferred_element_type=f32) + bk_ref[:]
    score_ref[:] = jnp.sum(_b16(keys) * _b16(q), axis=1, keepdims=True)
    values_ref[:] = (jnp.dot(x2, Wv_ref[:], preferred_element_type=f32)
                     + bv_ref[:]).astype(jnp.bfloat16)


BB = 128


def _route_body(score_ref, val_ref, lng_ref, lnb_ref, Wg_ref, bg_ref,
                eb_ref, w_ref, topk_ref):
    f32 = jnp.float32
    score = score_ref[:]
    m = jnp.max(score, axis=1, keepdims=True)
    ex = jnp.exp(score - m)
    attn = ex / jnp.sum(ex, axis=1, keepdims=True)
    attn16 = _b16(attn)
    parts = [jnp.zeros((BB, D), f32) for _ in range(4)]
    for l in range(L):
        parts[l % 4] = (parts[l % 4]
                        + val_ref[:, l, :].astype(f32) * attn16[:, l:l + 1])
    pooled = (parts[0] + parts[1]) + (parts[2] + parts[3])
    mu = jnp.mean(pooled, axis=1, keepdims=True)
    cent = pooled - mu
    var = jnp.mean(cent * cent, axis=1, keepdims=True)
    ri = cent / jnp.sqrt(var + 1e-5) * lng_ref[:] + lnb_ref[:]

    gate = jnp.dot(ri, Wg_ref[:], preferred_element_type=f32) + bg_ref[:]
    sel = gate + eb_ref[:]
    iota_e = lax.broadcasted_iota(jnp.int32, (BB, E), 1)
    m1 = jnp.max(sel, axis=1, keepdims=True)
    i1 = jnp.min(jnp.where(sel == m1, iota_e, E), axis=1, keepdims=True)
    sel2 = jnp.where(iota_e == i1, -jnp.inf, sel)
    m2 = jnp.max(sel2, axis=1, keepdims=True)
    i2 = jnp.min(jnp.where(sel2 == m2, iota_e, E), axis=1, keepdims=True)
    g1 = jnp.sum(jnp.where(iota_e == i1, gate, 0.0), axis=1, keepdims=True)
    g2 = jnp.sum(jnp.where(iota_e == i2, gate, 0.0), axis=1, keepdims=True)
    mx = jnp.maximum(g1, g2)
    e1 = jnp.exp(g1 - mx)
    e2 = jnp.exp(g2 - mx)
    p1 = e1 / (e1 + e2)
    p2 = e2 / (e1 + e2)
    w_ref[:] = (p1 * (iota_e == i1).astype(f32)
                + p2 * (iota_e == i2).astype(f32))
    topk_ref[:] = jnp.concatenate([i1, i2], axis=1)


def _expert_body(feat_ref, w_ref, W1_ref, b1_ref, W2_ref, b2_ref,
                 W3_ref, b3_ref, Wp_ref, bp_ref, logits_ref, acc_ref):
    f32 = jnp.float32
    e = pl.program_id(0)
    h1 = jnp.maximum(
        jnp.dot(feat_ref[:], W1_ref[0], preferred_element_type=f32)
        + b1_ref[0], 0.0)
    h2 = jnp.maximum(
        jnp.dot(h1, W2_ref[0], preferred_element_type=f32) + b2_ref[0], 0.0)
    h3 = jnp.dot(h2, W3_ref[0], preferred_element_type=f32) + b3_ref[0]
    iota_e = lax.broadcasted_iota(jnp.int32, (B, E), 1)
    wcol = jnp.sum(jnp.where(iota_e == e, w_ref[:], 0.0), axis=1,
                   keepdims=True)

    @pl.when(e == 0)
    def _():
        acc_ref[:] = jnp.zeros((B, O), f32)

    acc_ref[:] += wcol * h3

    @pl.when(e == E - 1)
    def _():
        logits_ref[:] = (jnp.dot(acc_ref[:], Wp_ref[:],
                                 preferred_element_type=f32) + bp_ref[:])


def _row(v):
    return v.reshape(1, -1)


def kernel(ipc_indices, role_indices, bibliometric_features, ipc_table,
           role_table, Wq, bq, Wk, bk, Wv, bv, gctx, ln_g, ln_b, Wg, bg,
           expert_biases, W1, b1, W2, b2, W3, b3, Wp, bp):
    idx_flat = ipc_indices.reshape(-1).astype(jnp.int32)
    ridx_flat = role_indices.reshape(-1, 1).astype(jnp.int32)

    full = lambda shape: pl.BlockSpec(shape, lambda i: (0,) * len(shape))
    xg = _build_sc_gather(N_ROWS)(ipc_table, idx_flat)
    score_col, values = pl.pallas_call(
        _proj_body,
        grid=(N_ROWS // NRB,),
        in_specs=[
            pl.BlockSpec((NRB, D), lambda i: (i, 0)),
            pl.BlockSpec((NRB, 1), lambda i: (i, 0)),
            full((R, D)), full((D, D)), full((1, D)), full((D, D)),
            full((1, D)), full((D, D)), full((1, D)), full((1, D)),
        ],
        out_specs=[
            pl.BlockSpec((NRB, 1), lambda i: (i, 0)),
            pl.BlockSpec((NRB, D), lambda i: (i, 0)),
        ],
        out_shape=[
            jax.ShapeDtypeStruct((N_ROWS, 1), jnp.float32),
            jax.ShapeDtypeStruct((N_ROWS, D), jnp.bfloat16),
        ],
    )(xg, ridx_flat, role_table, Wq, _row(bq), Wk, _row(bk), Wv, _row(bv),
      _row(gctx))

    w, topk = pl.pallas_call(
        _route_body,
        grid=(B // BB,),
        in_specs=[
            pl.BlockSpec((BB, L), lambda i: (i, 0)),
            pl.BlockSpec((BB, L, D), lambda i: (i, 0, 0)),
            full((1, D)), full((1, D)), full((D, E)), full((1, E)),
            full((1, E)),
        ],
        out_specs=[
            pl.BlockSpec((BB, E), lambda i: (i, 0)),
            pl.BlockSpec((BB, K), lambda i: (i, 0)),
        ],
        out_shape=[
            jax.ShapeDtypeStruct((B, E), jnp.float32),
            jax.ShapeDtypeStruct((B, K), jnp.int32),
        ],
    )(score_col.reshape(B, L), values.reshape(B, L, D), _row(ln_g),
      _row(ln_b), Wg, _row(bg), _row(expert_biases))

    logits = pl.pallas_call(
        _expert_body,
        grid=(E,),
        in_specs=[
            full((B, F)), full((B, E)),
            pl.BlockSpec((1, F, H1), lambda e: (e, 0, 0)),
            pl.BlockSpec((1, 1, H1), lambda e: (e, 0, 0)),
            pl.BlockSpec((1, H1, H2), lambda e: (e, 0, 0)),
            pl.BlockSpec((1, 1, H2), lambda e: (e, 0, 0)),
            pl.BlockSpec((1, H2, O), lambda e: (e, 0, 0)),
            pl.BlockSpec((1, 1, O), lambda e: (e, 0, 0)),
            full((O, C)), full((1, C)),
        ],
        out_specs=pl.BlockSpec((B, C), lambda e: (0, 0)),
        out_shape=jax.ShapeDtypeStruct((B, C), jnp.float32),
        scratch_shapes=[pltpu.VMEM((B, O), jnp.float32)],
    )(bibliometric_features, w, W1, b1.reshape(E, 1, H1), W2,
      b2.reshape(E, 1, H2), W3, b3.reshape(E, 1, O), Wp, _row(bp))

    return (logits, topk)

# --- scband reference (transcript-rebuilt; emitter-appended) ---
"""Pipeline reference for scband-patent-citation-mo-emodule-4183298146730 (READ-ONLY COPY).

The authoritative reference and input builder live on the scoring server;
editing this copy changes nothing except your own understanding.
"""

import jax, jax.numpy as jnp
import numpy as np

B = 1024; L = 50; V = 100000; R = 16; D = 128; F = 256; E = 8; K = 2
H1 = 512; H2 = 512; O = 256; C = 16

def setup_inputs(seed: int = 0):
    key = jax.random.key(seed)
    ks = jax.random.split(key, 26)
    s = 0.05
    return {
        "ipc_indices": jax.random.randint(ks[0], (B, L), 0, V),
        "role_indices": jax.random.randint(ks[1], (B, L), 0, R),
        "bibliometric_features": jax.random.normal(ks[2], (B, F), dtype=jnp.float32),
        "ipc_table": jax.random.normal(ks[3], (V, D), dtype=jnp.float32) * s,
        "role_table": jax.random.normal(ks[4], (R, D), dtype=jnp.float32) * s,
        "Wq": jax.random.normal(ks[5], (D, D), dtype=jnp.float32) * s,
        "bq": jnp.zeros((D,), jnp.float32),
        "Wk": jax.random.normal(ks[6], (D, D), dtype=jnp.float32) * s,
        "bk": jnp.zeros((D,), jnp.float32),
        "Wv": jax.random.normal(ks[7], (D, D), dtype=jnp.float32) * s,
        "bv": jnp.zeros((D,), jnp.float32),
        "gctx": jax.random.normal(ks[8], (D,), dtype=jnp.float32) * s,
        "ln_g": jnp.ones((D,), jnp.float32),
        "ln_b": jnp.zeros((D,), jnp.float32),
        "Wg": jax.random.normal(ks[9], (D, E), dtype=jnp.float32) * s,
        "bg": jnp.zeros((E,), jnp.float32),
        "expert_biases": jnp.zeros((E,), jnp.float32),
        "W1": jax.random.normal(ks[10], (E, F, H1), dtype=jnp.float32) * s,
        "b1": jnp.zeros((E, H1), jnp.float32),
        "W2": jax.random.normal(ks[11], (E, H1, H2), dtype=jnp.float32) * s,
        "b2": jnp.zeros((E, H2), jnp.float32),
        "W3": jax.random.normal(ks[12], (E, H2, O), dtype=jnp.float32) * s,
        "b3": jnp.zeros((E, O), jnp.float32),
        "Wp": jax.random.normal(ks[13], (O, C), dtype=jnp.float32) * s,
        "bp": jnp.zeros((C,), jnp.float32),
    }

def reference(ipc_indices, role_indices, bibliometric_features, ipc_table, role_table, Wq, bq, Wk, bk, Wv, bv, gctx, ln_g, ln_b, Wg, bg, expert_biases, W1, b1, W2, b2, W3, b3, Wp, bp):
    # embeddings + role combine
    x = jnp.take(ipc_table, ipc_indices, axis=0) + jnp.take(role_table, role_indices, axis=0)  # (B, L, D)
    # attention pooling with global context query
    keys = x @ Wk + bk
    values = x @ Wv + bv
    query = jnp.broadcast_to(gctx, (B, D)) @ Wq + bq
    scores = jnp.einsum('bd,bld->bl', query, keys)
    attn = jax.nn.softmax(scores, axis=-1)
    pooled = jnp.einsum('bl,bld->bd', attn, values)
    mu = pooled.mean(axis=-1, keepdims=True)
    var = pooled.var(axis=-1, keepdims=True)
    router_input = (pooled - mu) / jnp.sqrt(var + 1e-5) * ln_g + ln_b
    # MoE router
    gate = router_input @ Wg + bg
    sel = gate + expert_biases
    _, topk_idx = jax.lax.top_k(sel, K)  # (B, K)
    gw = jax.nn.softmax(jnp.take_along_axis(gate, topk_idx, axis=-1), axis=-1)
    flat_idx = topk_idx.reshape(-1)            # (B*K,)
    flat_gw = gw.reshape(-1)                   # (B*K,)
    flat_in = jnp.repeat(bibliometric_features, K, axis=0)  # (B*K, F)
    # experts (dense compute over all experts, one-hot combine)
    h1 = jax.nn.relu(jnp.einsum('ti,eih->eth', flat_in, W1) + b1[:, None, :])
    h2 = jax.nn.relu(jnp.einsum('eth,ehj->etj', h1, W2) + b2[:, None, :])
    h3 = jnp.einsum('etj,ejo->eto', h2, W3) + b3[:, None, :]
    onehot = jax.nn.one_hot(flat_idx, E, dtype=h3.dtype)     # (B*K, E)
    expert_out = jnp.einsum('te,eto->to', onehot, h3)        # (B*K, O)
    weighted = expert_out * flat_gw[:, None]
    seg = jnp.repeat(jnp.arange(B), K)
    final = jax.ops.segment_sum(weighted, seg, num_segments=B)  # (B, O)
    logits = final @ Wp + bp
    return (logits, topk_idx)

if __name__ == "__main__":
    import jax
    _d = setup_inputs()
    print(jax.jit(kernel)(*tuple(_d.values())))

</pallas_src>

<mosaic_0001>
#map = affine_map<(d0, d1) -> (0, 0)>
#map1 = affine_map<(d0, d1) -> (0)>
module attributes {stable_mosaic.version = 14 : i64} {
  func.func @body(%arg0: i32, %arg1: i32, %arg2: memref<100000x128xf32, #tpu.memory_space<hbm>>, %arg3: memref<51200xi32, #tpu.memory_space<hbm>>, %arg4: memref<51200x128xf32, #tpu.memory_space<hbm>>, %arg5: memref<128xi32, #tpu.memory_space<vmem>>, %arg6: memref<128xi32, #tpu.memory_space<vmem>>, %arg7: memref<128xi32, #tpu.memory_space<vmem>>, %arg8: memref<128xi32, #tpu.memory_space<vmem>>, %arg9: memref<128x128xf32, #tpu.memory_space<vmem>>, %arg10: memref<128x128xf32, #tpu.memory_space<vmem>>, %arg11: memref<128x128xf32, #tpu.memory_space<vmem>>, %arg12: memref<128x128xf32, #tpu.memory_space<vmem>>, %arg13: memref<!tpu.dma_semaphore, #tpu.memory_space<semaphore_mem>>, %arg14: memref<!tpu.dma_semaphore, #tpu.memory_space<semaphore_mem>>, %arg15: memref<!tpu.dma_semaphore, #tpu.memory_space<semaphore_mem>>, %arg16: memref<!tpu.dma_semaphore, #tpu.memory_space<semaphore_mem>>, %arg17: memref<!tpu.dma_semaphore, #tpu.memory_space<semaphore_mem>>, %arg18: memref<!tpu.dma_semaphore, #tpu.memory_space<semaphore_mem>>, %arg19: memref<!tpu.dma_semaphore, #tpu.memory_space<semaphore_mem>>, %arg20: memref<!tpu.dma_semaphore, #tpu.memory_space<semaphore_mem>>, %arg21: memref<64xi32, #tpu.memory_space<vmem>>, %arg22: memref<64x128xf32, #tpu.memory_space<vmem>>, %arg23: memref<!tpu.dma_semaphore, #tpu.memory_space<semaphore_mem>>) attributes {dimension_semantics = [#tpu.dimension_semantics<core_parallel>, #tpu.dimension_semantics<subcore_parallel>], iteration_bounds = array<i64: 2, 16>, scalar_prefetch = 0 : i64, scratch_operands = 19 : i64, tpu.core_type = #tpu.core_type<sc_vector_subcore>, window_params = [{transform_indices = #map}, {transform_indices = #map1}, {transform_indices = #map}]} {
    %mul3A = arith.constant 2 : i32
    %mul3A_0 = arith.muli %arg1, %mul3A : i32
    %add3A = arith.addi %mul3A_0, %arg0 : i32
    %mul3A_1 = arith.constant 1600 : i32
    %mul3A_2 = arith.muli %add3A, %mul3A_1 : i32
    %add3A_3 = arith.constant 1536 : i32
    %add3A_4 = arith.addi %mul3A_2, %add3A_3 : i32
    "tpu.region"() ({
      %run_scoped3A = tpu.sem_alloc : memref<!tpu.dma_semaphore, #tpu.memory_space<semaphore_mem>>
      %dma_start3A_227 = tpu.memref_slice %arg3[%add3A_4] : memref<51200xi32, #tpu.memory_space<hbm>> -> memref<64xi32, #tpu.memory_space<hbm>>
      %dma_start3A_228 = tpu.memref_slice %arg3[%add3A_4] : memref<51200xi32, #tpu.memory_space<hbm>> -> memref<64xi32, #tpu.memory_space<hbm>>
      tpu.enqueue_dma source(%dma_start3A_228 : memref<64xi32, #tpu.memory_space<hbm>>) target(%arg21 : memref<64xi32, #tpu.memory_space<vmem>>) target_semaphore(%run_scoped3A : memref<!tpu.dma_semaphore, #tpu.memory_space<semaphore_mem>>)
      %dma_wait3A_229 = tpu.memref_slice %arg3[%add3A_4] : memref<51200xi32, #tpu.memory_space<hbm>> -> memref<64xi32, #tpu.memory_space<hbm>>
      %dma_wait3A_230 = tpu.memref_slice %arg3[%add3A_4] : memref<51200xi32, #tpu.memory_space<hbm>> -> memref<64xi32, #tpu.memory_space<hbm>>
      tpu.wait_dma2 semaphore(%run_scoped3A : memref<!tpu.dma_semaphore, #tpu.memory_space<semaphore_mem>>) src(%dma_wait3A_230 : memref<64xi32, #tpu.memory_space<hbm>>) dst(%arg21 : memref<64xi32, #tpu.memory_space<vmem>>)
      tpu.yield
    }) : () -> ()
    %dma_start3A = arith.constant 0 : i32
    %dma_start3A_5 = arith.constant 0 : i32
    %dma_start3A_6 = tpu.memref_slice %arg2[%dma_start3A, %dma_start3A_5] : memref<100000x128xf32, #tpu.memory_space<hbm>> -> memref<100000x128xf32, #tpu.memory_space<hbm>>
    tpu.enqueue_indirect_dma source(%dma_start3A_6 : memref<100000x128xf32, #tpu.memory_space<hbm>>) target(%arg22 : memref<64x128xf32, #tpu.memory_space<vmem>>) offsets(%arg21 : memref<64xi32, #tpu.memory_space<vmem>>) semaphore(%arg23 : memref<!tpu.dma_semaphore, #tpu.memory_space<semaphore_mem>>)
    %add3A_7 = arith.constant 0 : i32
    %add3A_8 = arith.addi %mul3A_2, %add3A_7 : i32
    "tpu.region"() ({
      %run_scoped3A = tpu.sem_alloc : memref<!tpu.dma_semaphore, #tpu.memory_space<semaphore_mem>>
      %dma_start3A_227 = tpu.memref_slice %arg3[%add3A_8] : memref<51200xi32, #tpu.memory_space<hbm>> -> memref<128xi32, #tpu.memory_space<hbm>>
      %dma_start3A_228 = tpu.memref_slice %arg3[%add3A_8] : memref<51200xi32, #tpu.memory_space<hbm>> -> memref<128xi32, #tpu.memory_space<hbm>>
      tpu.enqueue_dma source(%dma_start3A_228 : memref<128xi32, #tpu.memory_space<hbm>>) target(%arg5 : memref<128xi32, #tpu.memory_space<vmem>>) target_semaphore(%run_scoped3A : memref<!tpu.dma_semaphore, #tpu.memory_space<semaphore_mem>>)
      %dma_wait3A_229 = tpu.memref_slice %arg3[%add3A_8] : memref<51200xi32, #tpu.memory_space<hbm>> -> memref<128xi32, #tpu.memory_space<hbm>>
      %dma_wait3A_230 = tpu.memref_slice %arg3[%add3A_8] : memref<51200xi32, #tpu.memory_space<hbm>> -> memref<128xi32, #tpu.memory_space<hbm>>
      tpu.wait_dma2 semaphore(%run_scoped3A : memref<!tpu.dma_semaphore, #tpu.memory_space<semaphore_mem>>) src(%dma_wait3A_230 : memref<128xi32, #tpu.memory_space<hbm>>) dst(%arg5 : memref<128xi32, #tpu.memory_space<vmem>>)
      tpu.yield
    }) : () -> ()
    %dma_start3A_9 = arith.constant 0 : i32
    %dma_start3A_10 = arith.constant 0 : i32
    %dma_start3A_11 = tpu.memref_slice %arg2[%dma_start3A_9, %dma_start3A_10] : memref<100000x128xf32, #tpu.memory_space<hbm>> -> memref<100000x128xf32, #tpu.memory_space<hbm>>
    tpu.enqueue_indirect_dma source(%dma_start3A_11 : memref<100000x128xf32, #tpu.memory_space<hbm>>) target(%arg9 : memref<128x128xf32, #tpu.memory_space<vmem>>) offsets(%arg5 : memref<128xi32, #tpu.memory_space<vmem>>) semaphore(%arg13 : memref<!tpu.dma_semaphore, #tpu.memory_space<semaphore_mem>>)
    %add3A_12 = arith.constant 128 : i32
    %add3A_13 = arith.addi %mul3A_2, %add3A_12 : i32
    "tpu.region"() ({
      %run_scoped3A = tpu.sem_alloc : memref<!tpu.dma_semaphore, #tpu.memory_space<semaphore_mem>>
      %dma_start3A_227 = tpu.memref_slice %arg3[%add3A_13] : memref<51200xi32, #tpu.memory_space<hbm>> -> memref<128xi32, #tpu.memory_space<hbm>>
      %dma_start3A_228 = tpu.memref_slice %arg3[%add3A_13] : memref<51200xi32, #tpu.memory_space<hbm>> -> memref<128xi32, #tpu.memory_space<hbm>>
      tpu.enqueue_dma source(%dma_start3A_228 : memref<128xi32, #tpu.memory_space<hbm>>) target(%arg6 : memref<128xi32, #tpu.memory_space<vmem>>) target_semaphore(%run_scoped3A : memref<!tpu.dma_semaphore, #tpu.memory_space<semaphore_mem>>)
      %dma_wait3A_229 = tpu.memref_slice %arg3[%add3A_13] : memref<51200xi32, #tpu.memory_space<hbm>> -> memref<128xi32, #tpu.memory_space<hbm>>
      %dma_wait3A_230 = tpu.memref_slice %arg3[%add3A_13] : memref<51200xi32, #tpu.memory_space<hbm>> -> memref<128xi32, #tpu.memory_space<hbm>>
      tpu.wait_dma2 semaphore(%run_scoped3A : memref<!tpu.dma_semaphore, #tpu.memory_space<semaphore_mem>>) src(%dma_wait3A_230 : memref<128xi32, #tpu.memory_space<hbm>>) dst(%arg6 : memref<128xi32, #tpu.memory_space<vmem>>)
      tpu.yield
    }) : () -> ()
    %dma_start3A_14 = arith.constant 0 : i32
    %dma_start3A_15 = arith.constant 0 : i32
    %dma_start3A_16 = tpu.memref_slice %arg2[%dma_start3A_14, %dma_start3A_15] : memref<100000x128xf32, #tpu.memory_space<hbm>> -> memref<100000x128xf32, #tpu.memory_space<hbm>>
    tpu.enqueue_indirect_dma source(%dma_start3A_16 : memref<100000x128xf32, #tpu.memory_space<hbm>>) target(%arg10 : memref<128x128xf32, #tpu.memory_space<vmem>>) offsets(%arg6 : memref<128xi32, #tpu.memory_space<vmem>>) semaphore(%arg14 : memref<!tpu.dma_semaphore, #tpu.memory_space<semaphore_mem>>)
    %add3A_17 = arith.constant 256 : i32
    %add3A_18 = arith.addi %mul3A_2, %add3A_17 : i32
    "tpu.region"() ({
      %run_scoped3A = tpu.sem_alloc : memref<!tpu.dma_semaphore, #tpu.memory_space<semaphore_mem>>
      %dma_start3A_227 = tpu.memref_slice %arg3[%add3A_18] : memref<51200xi32, #tpu.memory_space<hbm>> -> memref<128xi32, #tpu.memory_space<hbm>>
      %dma_start3A_228 = tpu.memref_slice %arg3[%add3A_18] : memref<51200xi32, #tpu.memory_space<hbm>> -> memref<128xi32, #tpu.memory_space<hbm>>
      tpu.enqueue_dma source(%dma_start3A_228 : memref<128xi32, #tpu.memory_space<hbm>>) target(%arg7 : memref<128xi32, #tpu.memory_space<vmem>>) target_semaphore(%run_scoped3A : memref<!tpu.dma_semaphore, #tpu.memory_space<semaphore_mem>>)
      %dma_wait3A_229 = tpu.memref_slice %arg3[%add3A_18] : memref<51200xi32, #tpu.memory_space<hbm>> -> memref<128xi32, #tpu.memory_space<hbm>>
      %dma_wait3A_230 = tpu.memref_slice %arg3[%add3A_18] : memref<51200xi32, #tpu.memory_space<hbm>> -> memref<128xi32, #tpu.memory_space<hbm>>
      tpu.wait_dma2 semaphore(%run_scoped3A : memref<!tpu.dma_semaphore, #tpu.memory_space<semaphore_mem>>) src(%dma_wait3A_230 : memref<128xi32, #tpu.memory_space<hbm>>) dst(%arg7 : memref<128xi32, #tpu.memory_space<vmem>>)
      tpu.yield
    }) : () -> ()
    %dma_start3A_19 = arith.constant 0 : i32
    %dma_start3A_20 = arith.constant 0 : i32
    %dma_start3A_21 = tpu.memref_slice %arg2[%dma_start3A_19, %dma_start3A_20] : memref<100000x128xf32, #tpu.memory_space<hbm>> -> memref<100000x128xf32, #tpu.memory_space<hbm>>
    tpu.enqueue_indirect_dma source(%dma_start3A_21 : memref<100000x128xf32, #tpu.memory_space<hbm>>) target(%arg11 : memref<128x128xf32, #tpu.memory_space<vmem>>) offsets(%arg7 : memref<128xi32, #tpu.memory_space<vmem>>) semaphore(%arg15 : memref<!tpu.dma_semaphore, #tpu.memory_space<semaphore_mem>>)
    %dma_wait3A = arith.constant 0 : i32
    %dma_wait3A_22 = arith.constant 0 : i32
    %dma_wait3A_23 = tpu.memref_slice %arg2[%dma_wait3A, %dma_wait3A_22] : memref<100000x128xf32, #tpu.memory_space<hbm>> -> memref<100000x128xf32, #tpu.memory_space<hbm>>
    tpu.wait_indirect_dma semaphore(%arg13 : memref<!tpu.dma_semaphore, #tpu.memory_space<semaphore_mem>>) src(%dma_wait3A_23 : memref<100000x128xf32, #tpu.memory_space<hbm>>) dst(%arg9 : memref<128x128xf32, #tpu.memory_space<vmem>>)
    %add3A_24 = arith.constant 0 : i32
    %add3A_25 = arith.addi %mul3A_2, %add3A_24 : i32
    %dma_start3A_26 = arith.constant 0 : i32
    %dma_start3A_27 = tpu.memref_slice %arg4[%add3A_25, %dma_start3A_26] : memref<51200x128xf32, #tpu.memory_space<hbm>> -> memref<128x128xf32, #tpu.memory_space<hbm>>
    %dma_start3A_28 = arith.constant 0 : i32
    %dma_start3A_29 = tpu.memref_slice %arg4[%add3A_25, %dma_start3A_28] : memref<51200x128xf32, #tpu.memory_space<hbm>> -> memref<128x128xf32, #tpu.memory_space<hbm>>
    tpu.enqueue_dma source(%arg9 : memref<128x128xf32, #tpu.memory_space<vmem>>) target(%dma_start3A_29 : memref<128x128xf32, #tpu.memory_space<hbm>>) target_semaphore(%arg17 : memref<!tpu.dma_semaphore, #tpu.memory_space<semaphore_mem>>)
    %add3A_30 = arith.constant 384 : i32
    %add3A_31 = arith.addi %mul3A_2, %add3A_30 : i32
    "tpu.region"() ({
      %run_scoped3A = tpu.sem_alloc : memref<!tpu.dma_semaphore, #tpu.memory_space<semaphore_mem>>
      %dma_start3A_227 = tpu.memref_slice %arg3[%add3A_31] : memref<51200xi32, #tpu.memory_space<hbm>> -> memref<128xi32, #tpu.memory_space<hbm>>
      %dma_start3A_228 = tpu.memref_slice %arg3[%add3A_31] : memref<51200xi32, #tpu.memory_space<hbm>> -> memref<128xi32, #tpu.memory_space<hbm>>
      tpu.enqueue_dma source(%dma_start3A_228 : memref<128xi32, #tpu.memory_space<hbm>>) target(%arg8 : memref<128xi32, #tpu.memory_space<vmem>>) target_semaphore(%run_scoped3A : memref<!tpu.dma_semaphore, #tpu.memory_space<semaphore_mem>>)
      %dma_wait3A_229 = tpu.memref_slice %arg3[%add3A_31] : memref<51200xi32, #tpu.memory_space<hbm>> -> memref<128xi32, #tpu.memory_space<hbm>>
      %dma_wait3A_230 = tpu.memref_slice %arg3[%add3A_31] : memref<51200xi32, #tpu.memory_space<hbm>> -> memref<128xi32, #tpu.memory_space<hbm>>
      tpu.wait_dma2 semaphore(%run_scoped3A : memref<!tpu.dma_semaphore, #tpu.memory_space<semaphore_mem>>) src(%dma_wait3A_230 : memref<128xi32, #tpu.memory_space<hbm>>) dst(%arg8 : memref<128xi32, #tpu.memory_space<vmem>>)
      tpu.yield
    }) : () -> ()
    %dma_start3A_32 = arith.constant 0 : i32
    %dma_start3A_33 = arith.constant 0 : i32
    %dma_start3A_34 = tpu.memref_slice %arg2[%dma_start3A_32, %dma_start3A_33] : memref<100000x128xf32, #tpu.memory_space<hbm>> -> memref<100000x128xf32, #tpu.memory_space<hbm>>
    tpu.enqueue_indirect_dma source(%dma_start3A_34 : memref<100000x128xf32, #tpu.memory_space<hbm>>) target(%arg12 : memref<128x128xf32, #tpu.memory_space<vmem>>) offsets(%arg8 : memref<128xi32, #tpu.memory_space<vmem>>) semaphore(%arg16 : memref<!tpu.dma_semaphore, #tpu.memory_space<semaphore_mem>>)
    %dma_wait3A_35 = arith.constant 0 : i32
    %dma_wait3A_36 = arith.constant 0 : i32
    %dma_wait3A_37 = tpu.memref_slice %arg2[%dma_wait3A_35, %dma_wait3A_36] : memref<100000x128xf32, #tpu.memory_space<hbm>> -> memref<100000x128xf32, #tpu.memory_space<hbm>>
    tpu.wait_indirect_dma semaphore(%arg14 : memref<!tpu.dma_semaphore, #tpu.memory_space<semaphore_mem>>) src(%dma_wait3A_37 : memref<100000x128xf32, #tpu.memory_space<hbm>>) dst(%arg10 : memref<128x128xf32, #tpu.memory_space<vmem>>)
    %add3A_38 = arith.constant 128 : i32
    %add3A_39 = arith.addi %mul3A_2, %add3A_38 : i32
    %dma_start3A_40 = arith.constant 0 : i32
    %dma_start3A_41 = tpu.memref_slice %arg4[%add3A_39, %dma_start3A_40] : memref<51200x128xf32, #tpu.memory_space<hbm>> -> memref<128x128xf32, #tpu.memory_space<hbm>>
    %dma_start3A_42 = arith.constant 0 : i32
    %dma_start3A_43 = tpu.memref_slice %arg4[%add3A_39, %dma_start3A_42] : memref<51200x128xf32, #tpu.memory_space<hbm>> -> memref<128x128xf32, #tpu.memory_space<hbm>>
    tpu.enqueue_dma source(%arg10 : memref<128x128xf32, #tpu.memory_space<vmem>>) target(%dma_start3A_43 : memref<128x128xf32, #tpu.memory_space<hbm>>) target_semaphore(%arg18 : memref<!tpu.dma_semaphore, #tpu.memory_space<semaphore_mem>>)
    %dma_wait3A_44 = arith.constant 0 : i32
    %dma_wait3A_45 = tpu.memref_slice %arg4[%add3A_25, %dma_wait3A_44] : memref<51200x128xf32, #tpu.memory_space<hbm>> -> memref<128x128xf32, #tpu.memory_space<hbm>>
    %dma_wait3A_46 = arith.constant 0 : i32
    %dma_wait3A_47 = tpu.memref_slice %arg4[%add3A_25, %dma_wait3A_46] : memref<51200x128xf32, #tpu.memory_space<hbm>> -> memref<128x128xf32, #tpu.memory_space<hbm>>
    tpu.wait_dma2 semaphore(%arg17 : memref<!tpu.dma_semaphore, #tpu.memory_space<semaphore_mem>>) src(%arg9 : memref<128x128xf32, #tpu.memory_space<vmem>>) dst(%dma_wait3A_47 : memref<128x128xf32, #tpu.memory_space<hbm>>)
    %add3A_48 = arith.constant 512 : i32
    %add3A_49 = arith.addi %mul3A_2, %add3A_48 : i32
    "tpu.region"() ({
      %run_scoped3A = tpu.sem_alloc : memref<!tpu.dma_semaphore, #tpu.memory_space<semaphore_mem>>
      %dma_start3A_227 = tpu.memref_slice %arg3[%add3A_49] : memref<51200xi32, #tpu.memory_space<hbm>> -> memref<128xi32, #tpu.memory_space<hbm>>
      %dma_start3A_228 = tpu.memref_slice %arg3[%add3A_49] : memref<51200xi32, #tpu.memory_space<hbm>> -> memref<128xi32, #tpu.memory_space<hbm>>
      tpu.enqueue_dma source(%dma_start3A_228 : memref<128xi32, #tpu.memory_space<hbm>>) target(%arg5 : memref<128xi32, #tpu.memory_space<vmem>>) target_semaphore(%run_scoped3A : memref<!tpu.dma_semaphore, #tpu.memory_space<semaphore_mem>>)
      %dma_wait3A_229 = tpu.memref_slice %arg3[%add3A_49] : memref<51200xi32, #tpu.memory_space<hbm>> -> memref<128xi32, #tpu.memory_space<hbm>>
      %dma_wait3A_230 = tpu.memref_slice %arg3[%add3A_49] : memref<51200xi32, #tpu.memory_space<hbm>> -> memref<128xi32, #tpu.memory_space<hbm>>
      tpu.wait_dma2 semaphore(%run_scoped3A : memref<!tpu.dma_semaphore, #tpu.memory_space<semaphore_mem>>) src(%dma_wait3A_230 : memref<128xi32, #tpu.memory_space<hbm>>) dst(%arg5 : memref<128xi32, #tpu.memory_space<vmem>>)
      tpu.yield
    }) : () -> ()
    %dma_start3A_50 = arith.constant 0 : i32
    %dma_start3A_51 = arith.constant 0 : i32
    %dma_start3A_52 = tpu.memref_slice %arg2[%dma_start3A_50, %dma_start3A_51] : memref<100000x128xf32, #tpu.memory_space<hbm>> -> memref<100000x128xf32, #tpu.memory_space<hbm>>
    tpu.enqueue_indirect_dma source(%dma_start3A_52 : memref<100000x128xf32, #tpu.memory_space<hbm>>) target(%arg9 : memref<128x128xf32, #tpu.memory_space<vmem>>) offsets(%arg5 : memref<128xi32, #tpu.memory_space<vmem>>) semaphore(%arg13 : memref<!tpu.dma_semaphore, #tpu.memory_space<semaphore_mem>>)
    %dma_wait3A_53 = arith.constant 0 : i32
    %dma_wait3A_54 = arith.constant 0 : i32
    %dma_wait3A_55 = tpu.memref_slice %arg2[%dma_wait3A_53, %dma_wait3A_54] : memref<100000x128xf32, #tpu.memory_space<hbm>> -> memref<100000x128xf32, #tpu.memory_space<hbm>>
    tpu.wait_indirect_dma semaphore(%arg15 : memref<!tpu.dma_semaphore, #tpu.memory_space<semaphore_mem>>) src(%dma_wait3A_55 : memref<100000x128xf32, #tpu.memory_space<hbm>>) dst(%arg11 : memref<128x128xf32, #tpu.memory_space<vmem>>)
    %add3A_56 = arith.constant 256 : i32
    %add3A_57 = arith.addi %mul3A_2, %add3A_56 : i32
    %dma_start3A_58 = arith.constant 0 : i32
    %dma_start3A_59 = tpu.memref_slice %arg4[%add3A_57, %dma_start3A_58] : memref<51200x128xf32, #tpu.memory_space<hbm>> -> memref<128x128xf32, #tpu.memory_space<hbm>>
    %dma_start3A_60 = arith.constant 0 : i32
    %dma_start3A_61 = tpu.memref_slice %arg4[%add3A_57, %dma_start3A_60] : memref<51200x128xf32, #tpu.memory_space<hbm>> -> memref<128x128xf32, #tpu.memory_space<hbm>>
    tpu.enqueue_dma source(%arg11 : memref<128x128xf32, #tpu.memory_space<vmem>>) target(%dma_start3A_61 : memref<128x128xf32, #tpu.memory_space<hbm>>) target_semaphore(%arg19 : memref<!tpu.dma_semaphore, #tpu.memory_space<semaphore_mem>>)
    %dma_wait3A_62 = arith.constant 0 : i32
    %dma_wait3A_63 = tpu.memref_slice %arg4[%add3A_39, %dma_wait3A_62] : memref<51200x128xf32, #tpu.memory_space<hbm>> -> memref<128x128xf32, #tpu.memory_space<hbm>>
    %dma_wait3A_64 = arith.constant 0 : i32
    %dma_wait3A_65 = tpu.memref_slice %arg4[%add3A_39, %dma_wait3A_64] : memref<51200x128xf32, #tpu.memory_space<hbm>> -> memref<128x128xf32, #tpu.memory_space<hbm>>
    tpu.wait_dma2 semaphore(%arg18 : memref<!tpu.dma_semaphore, #tpu.memory_space<semaphore_mem>>) src(%arg10 : memref<128x128xf32, #tpu.memory_space<vmem>>) dst(%dma_wait3A_65 : memref<128x128xf32, #tpu.memory_space<hbm>>)
    %add3A_66 = arith.constant 640 : i32
    %add3A_67 = arith.addi %mul3A_2, %add3A_66 : i32
    "tpu.region"() ({
      %run_scoped3A = tpu.sem_alloc : memref<!tpu.dma_semaphore, #tpu.memory_space<semaphore_mem>>
      %dma_start3A_227 = tpu.memref_slice %arg3[%add3A_67] : memref<51200xi32, #tpu.memory_space<hbm>> -> memref<128xi32, #tpu.memory_space<hbm>>
      %dma_start3A_228 = tpu.memref_slice %arg3[%add3A_67] : memref<51200xi32, #tpu.memory_space<hbm>> -> memref<128xi32, #tpu.memory_space<hbm>>
      tpu.enqueue_dma source(%dma_start3A_228 : memref<128xi32, #tpu.memory_space<hbm>>) target(%arg6 : memref<128xi32, #tpu.memory_space<vmem>>) target_semaphore(%run_scoped3A : memref<!tpu.dma_semaphore, #tpu.memory_space<semaphore_mem>>)
      %dma_wait3A_229 = tpu.memref_slice %arg3[%add3A_67] : memref<51200xi32, #tpu.memory_space<hbm>> -> memref<128xi32, #tpu.memory_space<hbm>>
      %dma_wait3A_230 = tpu.memref_slice %arg3[%add3A_67] : memref<51200xi32, #tpu.memory_space<hbm>> -> memref<128xi32, #tpu.memory_space<hbm>>
      tpu.wait_dma2 semaphore(%run_scoped3A : memref<!tpu.dma_semaphore, #tpu.memory_space<semaphore_mem>>) src(%dma_wait3A_230 : memref<128xi32, #tpu.memory_space<hbm>>) dst(%arg6 : memref<128xi32, #tpu.memory_space<vmem>>)
      tpu.yield
    }) : () -> ()
    %dma_start3A_68 = arith.constant 0 : i32
    %dma_start3A_69 = arith.constant 0 : i32
    %dma_start3A_70 = tpu.memref_slice %arg2[%dma_start3A_68, %dma_start3A_69] : memref<100000x128xf32, #tpu.memory_space<hbm>> -> memref<100000x128xf32, #tpu.memory_space<hbm>>
    tpu.enqueue_indirect_dma source(%dma_start3A_70 : memref<100000x128xf32, #tpu.memory_space<hbm>>) target(%arg10 : memref<128x128xf32, #tpu.memory_space<vmem>>) offsets(%arg6 : memref<128xi32, #tpu.memory_space<vmem>>) semaphore(%arg14 : memref<!tpu.dma_semaphore, #tpu.memory_space<semaphore_mem>>)
    %dma_wait3A_71 = arith.constant 0 : i32
    %dma_wait3A_72 = arith.constant 0 : i32
    %dma_wait3A_73 = tpu.memref_slice %arg2[%dma_wait3A_71, %dma_wait3A_72] : memref<100000x128xf32, #tpu.memory_space<hbm>> -> memref<100000x128xf32, #tpu.memory_space<hbm>>
    tpu.wait_indirect_dma semaphore(%arg16 : memref<!tpu.dma_semaphore, #tpu.memory_space<semaphore_mem>>) src(%dma_wait3A_73 : memref<100000x128xf32, #tpu.memory_space<hbm>>) dst(%arg12 : memref<128x128xf32, #tpu.memory_space<vmem>>)
    %add3A_74 = arith.constant 384 : i32
    %add3A_75 = arith.addi %mul3A_2, %add3A_74 : i32
    %dma_start3A_76 = arith.constant 0 : i32
    %dma_start3A_77 = tpu.memref_slice %arg4[%add3A_75, %dma_start3A_76] : memref<51200x128xf32, #tpu.memory_space<hbm>> -> memref<128x128xf32, #tpu.memory_space<hbm>>
    %dma_start3A_78 = arith.constant 0 : i32
    %dma_start3A_79 = tpu.memref_slice %arg4[%add3A_75, %dma_start3A_78] : memref<51200x128xf32, #tpu.memory_space<hbm>> -> memref<128x128xf32, #tpu.memory_space<hbm>>
    tpu.enqueue_dma source(%arg12 : memref<128x128xf32, #tpu.memory_space<vmem>>) target(%dma_start3A_79 : memref<128x128xf32, #tpu.memory_space<hbm>>) target_semaphore(%arg20 : memref<!tpu.dma_semaphore, #tpu.memory_space<semaphore_mem>>)
    %dma_wait3A_80 = arith.constant 0 : i32
    %dma_wait3A_81 = tpu.memref_slice %arg4[%add3A_57, %dma_wait3A_80] : memref<51200x128xf32, #tpu.memory_space<hbm>> -> memref<128x128xf32, #tpu.memory_space<hbm>>
    %dma_wait3A_82 = arith.constant 0 : i32
    %dma_wait3A_83 = tpu.memref_slice %arg4[%add3A_57, %dma_wait3A_82] : memref<51200x128xf32, #tpu.memory_space<hbm>> -> memref<128x128xf32, #tpu.memory_space<hbm>>
    tpu.wait_dma2 semaphore(%arg19 : memref<!tpu.dma_semaphore, #tpu.memory_space<semaphore_mem>>) src(%arg11 : memref<128x128xf32, #tpu.memory_space<vmem>>) dst(%dma_wait3A_83 : memref<128x128xf32, #tpu.memory_space<hbm>>)
    %add3A_84 = arith.constant 768 : i32
    %add3A_85 = arith.addi %mul3A_2, %add3A_84 : i32
    "tpu.region"() ({
      %run_scoped3A = tpu.sem_alloc : memref<!tpu.dma_semaphore, #tpu.memory_space<semaphore_mem>>
      %dma_start3A_227 = tpu.memref_slice %arg3[%add3A_85] : memref<51200xi32, #tpu.memory_space<hbm>> -> memref<128xi32, #tpu.memory_space<hbm>>
      %dma_start3A_228 = tpu.memref_slice %arg3[%add3A_85] : memref<51200xi32, #tpu.memory_space<hbm>> -> memref<128xi32, #tpu.memory_space<hbm>>
      tpu.enqueue_dma source(%dma_start3A_228 : memref<128xi32, #tpu.memory_space<hbm>>) target(%arg7 : memref<128xi32, #tpu.memory_space<vmem>>) target_semaphore(%run_scoped3A : memref<!tpu.dma_semaphore, #tpu.memory_space<semaphore_mem>>)
      %dma_wait3A_229 = tpu.memref_slice %arg3[%add3A_85] : memref<51200xi32, #tpu.memory_space<hbm>> -> memref<128xi32, #tpu.memory_space<hbm>>
      %dma_wait3A_230 = tpu.memref_slice %arg3[%add3A_85] : memref<51200xi32, #tpu.memory_space<hbm>> -> memref<128xi32, #tpu.memory_space<hbm>>
      tpu.wait_dma2 semaphore(%run_scoped3A : memref<!tpu.dma_semaphore, #tpu.memory_space<semaphore_mem>>) src(%dma_wait3A_230 : memref<128xi32, #tpu.memory_space<hbm>>) dst(%arg7 : memref<128xi32, #tpu.memory_space<vmem>>)
      tpu.yield
    }) : () -> ()
    %dma_start3A_86 = arith.constant 0 : i32
    %dma_start3A_87 = arith.constant 0 : i32
    %dma_start3A_88 = tpu.memref_slice %arg2[%dma_start3A_86, %dma_start3A_87] : memref<100000x128xf32, #tpu.memory_space<hbm>> -> memref<100000x128xf32, #tpu.memory_space<hbm>>
    tpu.enqueue_indirect_dma source(%dma_start3A_88 : memref<100000x128xf32, #tpu.memory_space<hbm>>) target(%arg11 : memref<128x128xf32, #tpu.memory_space<vmem>>) offsets(%arg7 : memref<128xi32, #tpu.memory_space<vmem>>) semaphore(%arg15 : memref<!tpu.dma_semaphore, #tpu.memory_space<semaphore_mem>>)
    %dma_wait3A_89 = arith.constant 0 : i32
    %dma_wait3A_90 = arith.constant 0 : i32
    %dma_wait3A_91 = tpu.memref_slice %arg2[%dma_wait3A_89, %dma_wait3A_90] : memref<100000x128xf32, #tpu.memory_space<hbm>> -> memref<100000x128xf32, #tpu.memory_space<hbm>>
    tpu.wait_indirect_dma semaphore(%arg13 : memref<!tpu.dma_semaphore, #tpu.memory_space<semaphore_mem>>) src(%dma_wait3A_91 : memref<100000x128xf32, #tpu.memory_space<hbm>>) dst(%arg9 : memref<128x128xf32, #tpu.memory_space<vmem>>)
    %add3A_92 = arith.constant 512 : i32
    %add3A_93 = arith.addi %mul3A_2, %add3A_92 : i32
    %dma_start3A_94 = arith.constant 0 : i32
    %dma_start3A_95 = tpu.memref_slice %arg4[%add3A_93, %dma_start3A_94] : memref<51200x128xf32, #tpu.memory_space<hbm>> -> memref<128x128xf32, #tpu.memory_space<hbm>>
    %dma_start3A_96 = arith.constant 0 : i32
    %dma_start3A_97 = tpu.memref_slice %arg4[%add3A_93, %dma_start3A_96] : memref<51200x128xf32, #tpu.memory_space<hbm>> -> memref<128x128xf32, #tpu.memory_space<hbm>>
    tpu.enqueue_dma source(%arg9 : memref<128x128xf32, #tpu.memory_space<vmem>>) target(%dma_start3A_97 : memref<128x128xf32, #tpu.memory_space<hbm>>) target_semaphore(%arg17 : memref<!tpu.dma_semaphore, #tpu.memory_space<semaphore_mem>>)
    %dma_wait3A_98 = arith.constant 0 : i32
    %dma_wait3A_99 = tpu.memref_slice %arg4[%add3A_75, %dma_wait3A_98] : memref<51200x128xf32, #tpu.memory_space<hbm>> -> memref<128x128xf32, #tpu.memory_space<hbm>>
    %dma_wait3A_100 = arith.constant 0 : i32
    %dma_wait3A_101 = tpu.memref_slice %arg4[%add3A_75, %dma_wait3A_100] : memref<51200x128xf32, #tpu.memory_space<hbm>> -> memref<128x128xf32, #tpu.memory_space<hbm>>
    tpu.wait_dma2 semaphore(%arg20 : memref<!tpu.dma_semaphore, #tpu.memory_space<semaphore_mem>>) src(%arg12 : memref<128x128xf32, #tpu.memory_space<vmem>>) dst(%dma_wait3A_101 : memref<128x128xf32, #tpu.memory_space<hbm>>)
    %add3A_102 = arith.constant 896 : i32
    %add3A_103 = arith.addi %mul3A_2, %add3A_102 : i32
    "tpu.region"() ({
      %run_scoped3A = tpu.sem_alloc : memref<!tpu.dma_semaphore, #tpu.memory_space<semaphore_mem>>
      %dma_start3A_227 = tpu.memref_slice %arg3[%add3A_103] : memref<51200xi32, #tpu.memory_space<hbm>> -> memref<128xi32, #tpu.memory_space<hbm>>
      %dma_start3A_228 = tpu.memref_slice %arg3[%add3A_103] : memref<51200xi32, #tpu.memory_space<hbm>> -> memref<128xi32, #tpu.memory_space<hbm>>
      tpu.enqueue_dma source(%dma_start3A_228 : memref<128xi32, #tpu.memory_space<hbm>>) target(%arg8 : memref<128xi32, #tpu.memory_space<vmem>>) target_semaphore(%run_scoped3A : memref<!tpu.dma_semaphore, #tpu.memory_space<semaphore_mem>>)
      %dma_wait3A_229 = tpu.memref_slice %arg3[%add3A_103] : memref<51200xi32, #tpu.memory_space<hbm>> -> memref<128xi32, #tpu.memory_space<hbm>>
      %dma_wait3A_230 = tpu.memref_slice %arg3[%add3A_103] : memref<51200xi32, #tpu.memory_space<hbm>> -> memref<128xi32, #tpu.memory_space<hbm>>
      tpu.wait_dma2 semaphore(%run_scoped3A : memref<!tpu.dma_semaphore, #tpu.memory_space<semaphore_mem>>) src(%dma_wait3A_230 : memref<128xi32, #tpu.memory_space<hbm>>) dst(%arg8 : memref<128xi32, #tpu.memory_space<vmem>>)
      tpu.yield
    }) : () -> ()
    %dma_start3A_104 = arith.constant 0 : i32
    %dma_start3A_105 = arith.constant 0 : i32
    %dma_start3A_106 = tpu.memref_slice %arg2[%dma_start3A_104, %dma_start3A_105] : memref<100000x128xf32, #tpu.memory_space<hbm>> -> memref<100000x128xf32, #tpu.memory_space<hbm>>
    tpu.enqueue_indirect_dma source(%dma_start3A_106 : memref<100000x128xf32, #tpu.memory_space<hbm>>) target(%arg12 : memref<128x128xf32, #tpu.memory_space<vmem>>) offsets(%arg8 : memref<128xi32, #tpu.memory_space<vmem>>) semaphore(%arg16 : memref<!tpu.dma_semaphore, #tpu.memory_space<semaphore_mem>>)
    %dma_wait3A_107 = arith.constant 0 : i32
    %dma_wait3A_108 = arith.constant 0 : i32
    %dma_wait3A_109 = tpu.memref_slice %arg2[%dma_wait3A_107, %dma_wait3A_108] : memref<100000x128xf32, #tpu.memory_space<hbm>> -> memref<100000x128xf32, #tpu.memory_space<hbm>>
    tpu.wait_indirect_dma semaphore(%arg14 : memref<!tpu.dma_semaphore, #tpu.memory_space<semaphore_mem>>) src(%dma_wait3A_109 : memref<100000x128xf32, #tpu.memory_space<hbm>>) dst(%arg10 : memref<128x128xf32, #tpu.memory_space<vmem>>)
    %add3A_110 = arith.constant 640 : i32
    %add3A_111 = arith.addi %mul3A_2, %add3A_110 : i32
    %dma_start3A_112 = arith.constant 0 : i32
    %dma_start3A_113 = tpu.memref_slice %arg4[%add3A_111, %dma_start3A_112] : memref<51200x128xf32, #tpu.memory_space<hbm>> -> memref<128x128xf32, #tpu.memory_space<hbm>>
    %dma_start3A_114 = arith.constant 0 : i32
    %dma_start3A_115 = tpu.memref_slice %arg4[%add3A_111, %dma_start3A_114] : memref<51200x128xf32, #tpu.memory_space<hbm>> -> memref<128x128xf32, #tpu.memory_space<hbm>>
    tpu.enqueue_dma source(%arg10 : memref<128x128xf32, #tpu.memory_space<vmem>>) target(%dma_start3A_115 : memref<128x128xf32, #tpu.memory_space<hbm>>) target_semaphore(%arg18 : memref<!tpu.dma_semaphore, #tpu.memory_space<semaphore_mem>>)
    %dma_wait3A_116 = arith.constant 0 : i32
    %dma_wait3A_117 = tpu.memref_slice %arg4[%add3A_93, %dma_wait3A_116] : memref<51200x128xf32, #tpu.memory_space<hbm>> -> memref<128x128xf32, #tpu.memory_space<hbm>>
    %dma_wait3A_118 = arith.constant 0 : i32
    %dma_wait3A_119 = tpu.memref_slice %arg4[%add3A_93, %dma_wait3A_118] : memref<51200x128xf32, #tpu.memory_space<hbm>> -> memref<128x128xf32, #tpu.memory_space<hbm>>
    tpu.wait_dma2 semaphore(%arg17 : memref<!tpu.dma_semaphore, #tpu.memory_space<semaphore_mem>>) src(%arg9 : memref<128x128xf32, #tpu.memory_space<vmem>>) dst(%dma_wait3A_119 : memref<128x128xf32, #tpu.memory_space<hbm>>)
    %add3A_120 = arith.constant 1024 : i32
    %add3A_121 = arith.addi %mul3A_2, %add3A_120 : i32
    "tpu.region"() ({
      %run_scoped3A = tpu.sem_alloc : memref<!tpu.dma_semaphore, #tpu.memory_space<semaphore_mem>>
      %dma_start3A_227 = tpu.memref_slice %arg3[%add3A_121] : memref<51200xi32, #tpu.memory_space<hbm>> -> memref<128xi32, #tpu.memory_space<hbm>>
      %dma_start3A_228 = tpu.memref_slice %arg3[%add3A_121] : memref<51200xi32, #tpu.memory_space<hbm>> -> memref<128xi32, #tpu.memory_space<hbm>>
      tpu.enqueue_dma source(%dma_start3A_228 : memref<128xi32, #tpu.memory_space<hbm>>) target(%arg5 : memref<128xi32, #tpu.memory_space<vmem>>) target_semaphore(%run_scoped3A : memref<!tpu.dma_semaphore, #tpu.memory_space<semaphore_mem>>)
      %dma_wait3A_229 = tpu.memref_slice %arg3[%add3A_121] : memref<51200xi32, #tpu.memory_space<hbm>> -> memref<128xi32, #tpu.memory_space<hbm>>
      %dma_wait3A_230 = tpu.memref_slice %arg3[%add3A_121] : memref<51200xi32, #tpu.memory_space<hbm>> -> memref<128xi32, #tpu.memory_space<hbm>>
      tpu.wait_dma2 semaphore(%run_scoped3A : memref<!tpu.dma_semaphore, #tpu.memory_space<semaphore_mem>>) src(%dma_wait3A_230 : memref<128xi32, #tpu.memory_space<hbm>>) dst(%arg5 : memref<128xi32, #tpu.memory_space<vmem>>)
      tpu.yield
    }) : () -> ()
    %dma_start3A_122 = arith.constant 0 : i32
    %dma_start3A_123 = arith.constant 0 : i32
    %dma_start3A_124 = tpu.memref_slice %arg2[%dma_start3A_122, %dma_start3A_123] : memref<100000x128xf32, #tpu.memory_space<hbm>> -> memref<100000x128xf32, #tpu.memory_space<hbm>>
    tpu.enqueue_indirect_dma source(%dma_start3A_124 : memref<100000x128xf32, #tpu.memory_space<hbm>>) target(%arg9 : memref<128x128xf32, #tpu.memory_space<vmem>>) offsets(%arg5 : memref<128xi32, #tpu.memory_space<vmem>>) semaphore(%arg13 : memref<!tpu.dma_semaphore, #tpu.memory_space<semaphore_mem>>)
    %dma_wait3A_125 = arith.constant 0 : i32
    %dma_wait3A_126 = arith.constant 0 : i32
    %dma_wait3A_127 = tpu.memref_slice %arg2[%dma_wait3A_125, %dma_wait3A_126] : memref<100000x128xf32, #tpu.memory_space<hbm>> -> memref<100000x128xf32, #tpu.memory_space<hbm>>
    tpu.wait_indirect_dma semaphore(%arg15 : memref<!tpu.dma_semaphore, #tpu.memory_space<semaphore_mem>>) src(%dma_wait3A_127 : memref<100000x128xf32, #tpu.memory_space<hbm>>) dst(%arg11 : memref<128x128xf32, #tpu.memory_space<vmem>>)
    %add3A_128 = arith.constant 768 : i32
    %add3A_129 = arith.addi %mul3A_2, %add3A_128 : i32
    %dma_start3A_130 = arith.constant 0 : i32
    %dma_start3A_131 = tpu.memref_slice %arg4[%add3A_129, %dma_start3A_130] : memref<51200x128xf32, #tpu.memory_space<hbm>> -> memref<128x128xf32, #tpu.memory_space<hbm>>
    %dma_start3A_132 = arith.constant 0 : i32
    %dma_start3A_133 = tpu.memref_slice %arg4[%add3A_129, %dma_start3A_132] : memref<51200x128xf32, #tpu.memory_space<hbm>> -> memref<128x128xf32, #tpu.memory_space<hbm>>
    tpu.enqueue_dma source(%arg11 : memref<128x128xf32, #tpu.memory_space<vmem>>) target(%dma_start3A_133 : memref<128x128xf32, #tpu.memory_space<hbm>>) target_semaphore(%arg19 : memref<!tpu.dma_semaphore, #tpu.memory_space<semaphore_mem>>)
    %dma_wait3A_134 = arith.constant 0 : i32
    %dma_wait3A_135 = tpu.memref_slice %arg4[%add3A_111, %dma_wait3A_134] : memref<51200x128xf32, #tpu.memory_space<hbm>> -> memref<128x128xf32, #tpu.memory_space<hbm>>
    %dma_wait3A_136 = arith.constant 0 : i32
    %dma_wait3A_137 = tpu.memref_slice %arg4[%add3A_111, %dma_wait3A_136] : memref<51200x128xf32, #tpu.memory_space<hbm>> -> memref<128x128xf32, #tpu.memory_space<hbm>>
    tpu.wait_dma2 semaphore(%arg18 : memref<!tpu.dma_semaphore, #tpu.memory_space<semaphore_mem>>) src(%arg10 : memref<128x128xf32, #tpu.memory_space<vmem>>) dst(%dma_wait3A_137 : memref<128x128xf32, #tpu.memory_space<hbm>>)
    %add3A_138 = arith.constant 1152 : i32
    %add3A_139 = arith.addi %mul3A_2, %add3A_138 : i32
    "tpu.region"() ({
      %run_scoped3A = tpu.sem_alloc : memref<!tpu.dma_semaphore, #tpu.memory_space<semaphore_mem>>
      %dma_start3A_227 = tpu.memref_slice %arg3[%add3A_139] : memref<51200xi32, #tpu.memory_space<hbm>> -> memref<128xi32, #tpu.memory_space<hbm>>
      %dma_start3A_228 = tpu.memref_slice %arg3[%add3A_139] : memref<51200xi32, #tpu.memory_space<hbm>> -> memref<128xi32, #tpu.memory_space<hbm>>
      tpu.enqueue_dma source(%dma_start3A_228 : memref<128xi32, #tpu.memory_space<hbm>>) target(%arg6 : memref<128xi32, #tpu.memory_space<vmem>>) target_semaphore(%run_scoped3A : memref<!tpu.dma_semaphore, #tpu.memory_space<semaphore_mem>>)
      %dma_wait3A_229 = tpu.memref_slice %arg3[%add3A_139] : memref<51200xi32, #tpu.memory_space<hbm>> -> memref<128xi32, #tpu.memory_space<hbm>>
      %dma_wait3A_230 = tpu.memref_slice %arg3[%add3A_139] : memref<51200xi32, #tpu.memory_space<hbm>> -> memref<128xi32, #tpu.memory_space<hbm>>
      tpu.wait_dma2 semaphore(%run_scoped3A : memref<!tpu.dma_semaphore, #tpu.memory_space<semaphore_mem>>) src(%dma_wait3A_230 : memref<128xi32, #tpu.memory_space<hbm>>) dst(%arg6 : memref<128xi32, #tpu.memory_space<vmem>>)
      tpu.yield
    }) : () -> ()
    %dma_start3A_140 = arith.constant 0 : i32
    %dma_start3A_141 = arith.constant 0 : i32
    %dma_start3A_142 = tpu.memref_slice %arg2[%dma_start3A_140, %dma_start3A_141] : memref<100000x128xf32, #tpu.memory_space<hbm>> -> memref<100000x128xf32, #tpu.memory_space<hbm>>
    tpu.enqueue_indirect_dma source(%dma_start3A_142 : memref<100000x128xf32, #tpu.memory_space<hbm>>) target(%arg10 : memref<128x128xf32, #tpu.memory_space<vmem>>) offsets(%arg6 : memref<128xi32, #tpu.memory_space<vmem>>) semaphore(%arg14 : memref<!tpu.dma_semaphore, #tpu.memory_space<semaphore_mem>>)
    %dma_wait3A_143 = arith.constant 0 : i32
    %dma_wait3A_144 = arith.constant 0 : i32
    %dma_wait3A_145 = tpu.memref_slice %arg2[%dma_wait3A_143, %dma_wait3A_144] : memref<100000x128xf32, #tpu.memory_space<hbm>> -> memref<100000x128xf32, #tpu.memory_space<hbm>>
    tpu.wait_indirect_dma semaphore(%arg16 : memref<!tpu.dma_semaphore, #tpu.memory_space<semaphore_mem>>) src(%dma_wait3A_145 : memref<100000x128xf32, #tpu.memory_space<hbm>>) dst(%arg12 : memref<128x128xf32, #tpu.memory_space<vmem>>)
    %add3A_146 = arith.constant 896 : i32
    %add3A_147 = arith.addi %mul3A_2, %add3A_146 : i32
    %dma_start3A_148 = arith.constant 0 : i32
    %dma_start3A_149 = tpu.memref_slice %arg4[%add3A_147, %dma_start3A_148] : memref<51200x128xf32, #tpu.memory_space<hbm>> -> memref<128x128xf32, #tpu.memory_space<hbm>>
    %dma_start3A_150 = arith.constant 0 : i32
    %dma_start3A_151 = tpu.memref_slice %arg4[%add3A_147, %dma_start3A_150] : memref<51200x128xf32, #tpu.memory_space<hbm>> -> memref<128x128xf32, #tpu.memory_space<hbm>>
    tpu.enqueue_dma source(%arg12 : memref<128x128xf32, #tpu.memory_space<vmem>>) target(%dma_start3A_151 : memref<128x128xf32, #tpu.memory_space<hbm>>) target_semaphore(%arg20 : memref<!tpu.dma_semaphore, #tpu.memory_space<semaphore_mem>>)
    %dma_wait3A_152 = arith.constant 0 : i32
    %dma_wait3A_153 = tpu.memref_slice %arg4[%add3A_129, %dma_wait3A_152] : memref<51200x128xf32, #tpu.memory_space<hbm>> -> memref<128x128xf32, #tpu.memory_space<hbm>>
    %dma_wait3A_154 = arith.constant 0 : i32
    %dma_wait3A_155 = tpu.memref_slice %arg4[%add3A_129, %dma_wait3A_154] : memref<51200x128xf32, #tpu.memory_space<hbm>> -> memref<128x128xf32, #tpu.memory_space<hbm>>
    tpu.wait_dma2 semaphore(%arg19 : memref<!tpu.dma_semaphore, #tpu.memory_space<semaphore_mem>>) src(%arg11 : memref<128x128xf32, #tpu.memory_space<vmem>>) dst(%dma_wait3A_155 : memref<128x128xf32, #tpu.memory_space<hbm>>)
    %add3A_156 = arith.constant 1280 : i32
    %add3A_157 = arith.addi %mul3A_2, %add3A_156 : i32
    "tpu.region"() ({
      %run_scoped3A = tpu.sem_alloc : memref<!tpu.dma_semaphore, #tpu.memory_space<semaphore_mem>>
      %dma_start3A_227 = tpu.memref_slice %arg3[%add3A_157] : memref<51200xi32, #tpu.memory_space<hbm>> -> memref<128xi32, #tpu.memory_space<hbm>>
      %dma_start3A_228 = tpu.memref_slice %arg3[%add3A_157] : memref<51200xi32, #tpu.memory_space<hbm>> -> memref<128xi32, #tpu.memory_space<hbm>>
      tpu.enqueue_dma source(%dma_start3A_228 : memref<128xi32, #tpu.memory_space<hbm>>) target(%arg7 : memref<128xi32, #tpu.memory_space<vmem>>) target_semaphore(%run_scoped3A : memref<!tpu.dma_semaphore, #tpu.memory_space<semaphore_mem>>)
      %dma_wait3A_229 = tpu.memref_slice %arg3[%add3A_157] : memref<51200xi32, #tpu.memory_space<hbm>> -> memref<128xi32, #tpu.memory_space<hbm>>
      %dma_wait3A_230 = tpu.memref_slice %arg3[%add3A_157] : memref<51200xi32, #tpu.memory_space<hbm>> -> memref<128xi32, #tpu.memory_space<hbm>>
      tpu.wait_dma2 semaphore(%run_scoped3A : memref<!tpu.dma_semaphore, #tpu.memory_space<semaphore_mem>>) src(%dma_wait3A_230 : memref<128xi32, #tpu.memory_space<hbm>>) dst(%arg7 : memref<128xi32, #tpu.memory_space<vmem>>)
      tpu.yield
    }) : () -> ()
    %dma_start3A_158 = arith.constant 0 : i32
    %dma_start3A_159 = arith.constant 0 : i32
    %dma_start3A_160 = tpu.memref_slice %arg2[%dma_start3A_158, %dma_start3A_159] : memref<100000x128xf32, #tpu.memory_space<hbm>> -> memref<100000x128xf32, #tpu.memory_space<hbm>>
    tpu.enqueue_indirect_dma source(%dma_start3A_160 : memref<100000x128xf32, #tpu.memory_space<hbm>>) target(%arg11 : memref<128x128xf32, #tpu.memory_space<vmem>>) offsets(%arg7 : memref<128xi32, #tpu.memory_space<vmem>>) semaphore(%arg15 : memref<!tpu.dma_semaphore, #tpu.memory_space<semaphore_mem>>)
    %dma_wait3A_161 = arith.constant 0 : i32
    %dma_wait3A_162 = arith.constant 0 : i32
    %dma_wait3A_163 = tpu.memref_slice %arg2[%dma_wait3A_161, %dma_wait3A_162] : memref<100000x128xf32, #tpu.memory_space<hbm>> -> memref<100000x128xf32, #tpu.memory_space<hbm>>
    tpu.wait_indirect_dma semaphore(%arg13 : memref<!tpu.dma_semaphore, #tpu.memory_space<semaphore_mem>>) src(%dma_wait3A_163 : memref<100000x128xf32, #tpu.memory_space<hbm>>) dst(%arg9 : memref<128x128xf32, #tpu.memory_space<vmem>>)
    %add3A_164 = arith.constant 1024 : i32
    %add3A_165 = arith.addi %mul3A_2, %add3A_164 : i32
    %dma_start3A_166 = arith.constant 0 : i32
    %dma_start3A_167 = tpu.memref_slice %arg4[%add3A_165, %dma_start3A_166] : memref<51200x128xf32, #tpu.memory_space<hbm>> -> memref<128x128xf32, #tpu.memory_space<hbm>>
    %dma_start3A_168 = arith.constant 0 : i32
    %dma_start3A_169 = tpu.memref_slice %arg4[%add3A_165, %dma_start3A_168] : memref<51200x128xf32, #tpu.memory_space<hbm>> -> memref<128x128xf32, #tpu.memory_space<hbm>>
    tpu.enqueue_dma source(%arg9 : memref<128x128xf32, #tpu.memory_space<vmem>>) target(%dma_start3A_169 : memref<128x128xf32, #tpu.memory_space<hbm>>) target_semaphore(%arg17 : memref<!tpu.dma_semaphore, #tpu.memory_space<semaphore_mem>>)
    %dma_wait3A_170 = arith.constant 0 : i32
    %dma_wait3A_171 = tpu.memref_slice %arg4[%add3A_147, %dma_wait3A_170] : memref<51200x128xf32, #tpu.memory_space<hbm>> -> memref<128x128xf32, #tpu.memory_space<hbm>>
    %dma_wait3A_172 = arith.constant 0 : i32
    %dma_wait3A_173 = tpu.memref_slice %arg4[%add3A_147, %dma_wait3A_172] : memref<51200x128xf32, #tpu.memory_space<hbm>> -> memref<128x128xf32, #tpu.memory_space<hbm>>
    tpu.wait_dma2 semaphore(%arg20 : memref<!tpu.dma_semaphore, #tpu.memory_space<semaphore_mem>>) src(%arg12 : memref<128x128xf32, #tpu.memory_space<vmem>>) dst(%dma_wait3A_173 : memref<128x128xf32, #tpu.memory_space<hbm>>)
    %add3A_174 = arith.constant 1408 : i32
    %add3A_175 = arith.addi %mul3A_2, %add3A_174 : i32
    "tpu.region"() ({
      %run_scoped3A = tpu.sem_alloc : memref<!tpu.dma_semaphore, #tpu.memory_space<semaphore_mem>>
      %dma_start3A_227 = tpu.memref_slice %arg3[%add3A_175] : memref<51200xi32, #tpu.memory_space<hbm>> -> memref<128xi32, #tpu.memory_space<hbm>>
      %dma_start3A_228 = tpu.memref_slice %arg3[%add3A_175] : memref<51200xi32, #tpu.memory_space<hbm>> -> memref<128xi32, #tpu.memory_space<hbm>>
      tpu.enqueue_dma source(%dma_start3A_228 : memref<128xi32, #tpu.memory_space<hbm>>) target(%arg8 : memref<128xi32, #tpu.memory_space<vmem>>) target_semaphore(%run_scoped3A : memref<!tpu.dma_semaphore, #tpu.memory_space<semaphore_mem>>)
      %dma_wait3A_229 = tpu.memref_slice %arg3[%add3A_175] : memref<51200xi32, #tpu.memory_space<hbm>> -> memref<128xi32, #tpu.memory_space<hbm>>
      %dma_wait3A_230 = tpu.memref_slice %arg3[%add3A_175] : memref<51200xi32, #tpu.memory_space<hbm>> -> memref<128xi32, #tpu.memory_space<hbm>>
      tpu.wait_dma2 semaphore(%run_scoped3A : memref<!tpu.dma_semaphore, #tpu.memory_space<semaphore_mem>>) src(%dma_wait3A_230 : memref<128xi32, #tpu.memory_space<hbm>>) dst(%arg8 : memref<128xi32, #tpu.memory_space<vmem>>)
      tpu.yield
    }) : () -> ()
    %dma_start3A_176 = arith.constant 0 : i32
    %dma_start3A_177 = arith.constant 0 : i32
    %dma_start3A_178 = tpu.memref_slice %arg2[%dma_start3A_176, %dma_start3A_177] : memref<100000x128xf32, #tpu.memory_space<hbm>> -> memref<100000x128xf32, #tpu.memory_space<hbm>>
    tpu.enqueue_indirect_dma source(%dma_start3A_178 : memref<100000x128xf32, #tpu.memory_space<hbm>>) target(%arg12 : memref<128x128xf32, #tpu.memory_space<vmem>>) offsets(%arg8 : memref<128xi32, #tpu.memory_space<vmem>>) semaphore(%arg16 : memref<!tpu.dma_semaphore, #tpu.memory_space<semaphore_mem>>)
    %dma_wait3A_179 = arith.constant 0 : i32
    %dma_wait3A_180 = arith.constant 0 : i32
    %dma_wait3A_181 = tpu.memref_slice %arg2[%dma_wait3A_179, %dma_wait3A_180] : memref<100000x128xf32, #tpu.memory_space<hbm>> -> memref<100000x128xf32, #tpu.memory_space<hbm>>
    tpu.wait_indirect_dma semaphore(%arg14 : memref<!tpu.dma_semaphore, #tpu.memory_space<semaphore_mem>>) src(%dma_wait3A_181 : memref<100000x128xf32, #tpu.memory_space<hbm>>) dst(%arg10 : memref<128x128xf32, #tpu.memory_space<vmem>>)
    %add3A_182 = arith.constant 1152 : i32
    %add3A_183 = arith.addi %mul3A_2, %add3A_182 : i32
    %dma_start3A_184 = arith.constant 0 : i32
    %dma_start3A_185 = tpu.memref_slice %arg4[%add3A_183, %dma_start3A_184] : memref<51200x128xf32, #tpu.memory_space<hbm>> -> memref<128x128xf32, #tpu.memory_space<hbm>>
    %dma_start3A_186 = arith.constant 0 : i32
    %dma_start3A_187 = tpu.memref_slice %arg4[%add3A_183, %dma_start3A_186] : memref<51200x128xf32, #tpu.memory_space<hbm>> -> memref<128x128xf32, #tpu.memory_space<hbm>>
    tpu.enqueue_dma source(%arg10 : memref<128x128xf32, #tpu.memory_space<vmem>>) target(%dma_start3A_187 : memref<128x128xf32, #tpu.memory_space<hbm>>) target_semaphore(%arg18 : memref<!tpu.dma_semaphore, #tpu.memory_space<semaphore_mem>>)
    %dma_wait3A_188 = arith.constant 0 : i32
    %dma_wait3A_189 = arith.constant 0 : i32
    %dma_wait3A_190 = tpu.memref_slice %arg2[%dma_wait3A_188, %dma_wait3A_189] : memref<100000x128xf32, #tpu.memory_space<hbm>> -> memref<100000x128xf32, #tpu.memory_space<hbm>>
    tpu.wait_indirect_dma semaphore(%arg15 : memref<!tpu.dma_semaphore, #tpu.memory_space<semaphore_mem>>) src(%dma_wait3A_190 : memref<100000x128xf32, #tpu.memory_space<hbm>>) dst(%arg11 : memref<128x128xf32, #tpu.memory_space<vmem>>)
    %add3A_191 = arith.constant 1280 : i32
    %add3A_192 = arith.addi %mul3A_2, %add3A_191 : i32
    %dma_start3A_193 = arith.constant 0 : i32
    %dma_start3A_194 = tpu.memref_slice %arg4[%add3A_192, %dma_start3A_193] : memref<51200x128xf32, #tpu.memory_space<hbm>> -> memref<128x128xf32, #tpu.memory_space<hbm>>
    %dma_start3A_195 = arith.constant 0 : i32
    %dma_start3A_196 = tpu.memref_slice %arg4[%add3A_192, %dma_start3A_195] : memref<51200x128xf32, #tpu.memory_space<hbm>> -> memref<128x128xf32, #tpu.memory_space<hbm>>
    tpu.enqueue_dma source(%arg11 : memref<128x128xf32, #tpu.memory_space<vmem>>) target(%dma_start3A_196 : memref<128x128xf32, #tpu.memory_space<hbm>>) target_semaphore(%arg19 : memref<!tpu.dma_semaphore, #tpu.memory_space<semaphore_mem>>)
    %dma_wait3A_197 = arith.constant 0 : i32
    %dma_wait3A_198 = arith.constant 0 : i32
    %dma_wait3A_199 = tpu.memref_slice %arg2[%dma_wait3A_197, %dma_wait3A_198] : memref<100000x128xf32, #tpu.memory_space<hbm>> -> memref<100000x128xf32, #tpu.memory_space<hbm>>
    tpu.wait_indirect_dma semaphore(%arg16 : memref<!tpu.dma_semaphore, #tpu.memory_space<semaphore_mem>>) src(%dma_wait3A_199 : memref<100000x128xf32, #tpu.memory_space<hbm>>) dst(%arg12 : memref<128x128xf32, #tpu.memory_space<vmem>>)
    %add3A_200 = arith.constant 1408 : i32
    %add3A_201 = arith.addi %mul3A_2, %add3A_200 : i32
    %dma_start3A_202 = arith.constant 0 : i32
    %dma_start3A_203 = tpu.memref_slice %arg4[%add3A_201, %dma_start3A_202] : memref<51200x128xf32, #tpu.memory_space<hbm>> -> memref<128x128xf32, #tpu.memory_space<hbm>>
    %dma_start3A_204 = arith.constant 0 : i32
    %dma_start3A_205 = tpu.memref_slice %arg4[%add3A_201, %dma_start3A_204] : memref<51200x128xf32, #tpu.memory_space<hbm>> -> memref<128x128xf32, #tpu.memory_space<hbm>>
    tpu.enqueue_dma source(%arg12 : memref<128x128xf32, #tpu.memory_space<vmem>>) target(%dma_start3A_205 : memref<128x128xf32, #tpu.memory_space<hbm>>) target_semaphore(%arg20 : memref<!tpu.dma_semaphore, #tpu.memory_space<semaphore_mem>>)
    %dma_wait3A_206 = arith.constant 0 : i32
    %dma_wait3A_207 = arith.constant 0 : i32
    %dma_wait3A_208 = tpu.memref_slice %arg2[%dma_wait3A_206, %dma_wait3A_207] : memref<100000x128xf32, #tpu.memory_space<hbm>> -> memref<100000x128xf32, #tpu.memory_space<hbm>>
    tpu.wait_indirect_dma semaphore(%arg23 : memref<!tpu.dma_semaphore, #tpu.memory_space<semaphore_mem>>) src(%dma_wait3A_208 : memref<100000x128xf32, #tpu.memory_space<hbm>>) dst(%arg22 : memref<64x128xf32, #tpu.memory_space<vmem>>)
    %add3A_209 = arith.constant 1536 : i32
    %add3A_210 = arith.addi %mul3A_2, %add3A_209 : i32
    "tpu.region"() ({
      %run_scoped3A = tpu.sem_alloc : memref<!tpu.dma_semaphore, #tpu.memory_space<semaphore_mem>>
      %dma_start3A_227 = arith.constant 0 : i32
      %dma_start3A_228 = tpu.memref_slice %arg4[%add3A_210, %dma_start3A_227] : memref<51200x128xf32, #tpu.memory_space<hbm>> -> memref<64x128xf32, #tpu.memory_space<hbm>>
      %dma_start3A_229 = arith.constant 0 : i32
      %dma_start3A_230 = tpu.memref_slice %arg4[%add3A_210, %dma_start3A_229] : memref<51200x128xf32, #tpu.memory_space<hbm>> -> memref<64x128xf32, #tpu.memory_space<hbm>>
      tpu.enqueue_dma source(%arg22 : memref<64x128xf32, #tpu.memory_space<vmem>>) target(%dma_start3A_230 : memref<64x128xf32, #tpu.memory_space<hbm>>) target_semaphore(%run_scoped3A : memref<!tpu.dma_semaphore, #tpu.memory_space<semaphore_mem>>)
      %dma_wait3A_231 = arith.constant 0 : i32
      %dma_wait3A_232 = tpu.memref_slice %arg4[%add3A_210, %dma_wait3A_231] : memref<51200x128xf32, #tpu.memory_space<hbm>> -> memref<64x128xf32, #tpu.memory_space<hbm>>
      %dma_wait3A_233 = arith.constant 0 : i32
      %dma_wait3A_234 = tpu.memref_slice %arg4[%add3A_210, %dma_wait3A_233] : memref<51200x128xf32, #tpu.memory_space<hbm>> -> memref<64x128xf32, #tpu.memory_space<hbm>>
      tpu.wait_dma2 semaphore(%run_scoped3A : memref<!tpu.dma_semaphore, #tpu.memory_space<semaphore_mem>>) src(%arg22 : memref<64x128xf32, #tpu.memory_space<vmem>>) dst(%dma_wait3A_234 : memref<64x128xf32, #tpu.memory_space<hbm>>)
      tpu.yield
    }) : () -> ()
    %dma_wait3A_211 = arith.constant 0 : i32
    %dma_wait3A_212 = tpu.memref_slice %arg4[%add3A_165, %dma_wait3A_211] : memref<51200x128xf32, #tpu.memory_space<hbm>> -> memref<128x128xf32, #tpu.memory_space<hbm>>
    %dma_wait3A_213 = arith.constant 0 : i32
    %dma_wait3A_214 = tpu.memref_slice %arg4[%add3A_165, %dma_wait3A_213] : memref<51200x128xf32, #tpu.memory_space<hbm>> -> memref<128x128xf32, #tpu.memory_space<hbm>>
    tpu.wait_dma2 semaphore(%arg17 : memref<!tpu.dma_semaphore, #tpu.memory_space<semaphore_mem>>) src(%arg9 : memref<128x128xf32, #tpu.memory_space<vmem>>) dst(%dma_wait3A_214 : memref<128x128xf32, #tpu.memory_space<hbm>>)
    %dma_wait3A_215 = arith.constant 0 : i32
    %dma_wait3A_216 = tpu.memref_slice %arg4[%add3A_183, %dma_wait3A_215] : memref<51200x128xf32, #tpu.memory_space<hbm>> -> memref<128x128xf32, #tpu.memory_space<hbm>>
    %dma_wait3A_217 = arith.constant 0 : i32
    %dma_wait3A_218 = tpu.memref_slice %arg4[%add3A_183, %dma_wait3A_217] : memref<51200x128xf32, #tpu.memory_space<hbm>> -> memref<128x128xf32, #tpu.memory_space<hbm>>
    tpu.wait_dma2 semaphore(%arg18 : memref<!tpu.dma_semaphore, #tpu.memory_space<semaphore_mem>>) src(%arg10 : memref<128x128xf32, #tpu.memory_space<vmem>>) dst(%dma_wait3A_218 : memref<128x128xf32, #tpu.memory_space<hbm>>)
    %dma_wait3A_219 = arith.constant 0 : i32
    %dma_wait3A_220 = tpu.memref_slice %arg4[%add3A_192, %dma_wait3A_219] : memref<51200x128xf32, #tpu.memory_space<hbm>> -> memref<128x128xf32, #tpu.memory_space<hbm>>
    %dma_wait3A_221 = arith.constant 0 : i32
    %dma_wait3A_222 = tpu.memref_slice %arg4[%add3A_192, %dma_wait3A_221] : memref<51200x128xf32, #tpu.memory_space<hbm>> -> memref<128x128xf32, #tpu.memory_space<hbm>>
    tpu.wait_dma2 semaphore(%arg19 : memref<!tpu.dma_semaphore, #tpu.memory_space<semaphore_mem>>) src(%arg11 : memref<128x128xf32, #tpu.memory_space<vmem>>) dst(%dma_wait3A_222 : memref<128x128xf32, #tpu.memory_space<hbm>>)
    %dma_wait3A_223 = arith.constant 0 : i32
    %dma_wait3A_224 = tpu.memref_slice %arg4[%add3A_201, %dma_wait3A_223] : memref<51200x128xf32, #tpu.memory_space<hbm>> -> memref<128x128xf32, #tpu.memory_space<hbm>>
    %dma_wait3A_225 = arith.constant 0 : i32
    %dma_wait3A_226 = tpu.memref_slice %arg4[%add3A_201, %dma_wait3A_225] : memref<51200x128xf32, #tpu.memory_space<hbm>> -> memref<128x128xf32, #tpu.memory_space<hbm>>
    tpu.wait_dma2 semaphore(%arg20 : memref<!tpu.dma_semaphore, #tpu.memory_space<semaphore_mem>>) src(%arg12 : memref<128x128xf32, #tpu.memory_space<vmem>>) dst(%dma_wait3A_226 : memref<128x128xf32, #tpu.memory_space<hbm>>)
    return
  }
}

module attributes {stable_mosaic.version = 14 : i64} {
  func.func @_proj_body(%arg0: i32, %arg1: memref<3200x128xf32, #tpu.memory_space<vmem>>, %arg2: memref<3200x1xi32, #tpu.memory_space<vmem>>, %arg3: memref<16x128xf32, #tpu.memory_space<vmem>>, %arg4: memref<128x128xf32, #tpu.memory_space<vmem>>, %arg5: memref<1x128xf32, #tpu.memory_space<vmem>>, %arg6: memref<128x128xf32, #tpu.memory_space<vmem>>, %arg7: memref<1x128xf32, #tpu.memory_space<vmem>>, %arg8: memref<128x128xf32, #tpu.memory_space<vmem>>, %arg9: memref<1x128xf32, #tpu.memory_space<vmem>>, %arg10: memref<1x128xf32, #tpu.memory_space<vmem>>, %arg11: memref<3200x1xf32, #tpu.memory_space<vmem>>, %arg12: memref<3200x128xbf16, #tpu.memory_space<vmem>>) attributes {dimension_semantics = [#tpu.dimension_semantics<arbitrary>], iteration_bounds = array<i64: 16>, scalar_prefetch = 0 : i64, scratch_operands = 0 : i64, tpu.core_type = #tpu.core_type<tc>, window_params = [{transform_indices = @transform_0, window_bounds = array<i64: 3200, 128>}, {transform_indices = @transform_1, window_bounds = array<i64: 3200, 1>}, {pipeline_mode = #tpu.pipeline_mode<synchronous>, transform_indices = @transform_2, window_bounds = array<i64: 16, 128>}, {pipeline_mode = #tpu.pipeline_mode<synchronous>, transform_indices = @transform_3, window_bounds = array<i64: 128, 128>}, {pipeline_mode = #tpu.pipeline_mode<synchronous>, transform_indices = @transform_4, window_bounds = array<i64: 1, 128>}, {pipeline_mode = #tpu.pipeline_mode<synchronous>, transform_indices = @transform_5, window_bounds = array<i64: 128, 128>}, {pipeline_mode = #tpu.pipeline_mode<synchronous>, transform_indices = @transform_6, window_bounds = array<i64: 1, 128>}, {pipeline_mode = #tpu.pipeline_mode<synchronous>, transform_indices = @transform_7, window_bounds = array<i64: 128, 128>}, {pipeline_mode = #tpu.pipeline_mode<synchronous>, transform_indices = @transform_8, window_bounds = array<i64: 1, 128>}, {pipeline_mode = #tpu.pipeline_mode<synchronous>, transform_indices = @transform_9, window_bounds = array<i64: 1, 128>}, {transform_indices = @transform_10, window_bounds = array<i64: 3200, 1>}, {transform_indices = @transform_11, window_bounds = array<i64: 3200, 128>}]} {
    %get3A = arith.constant 0 : index
    %get3A_0 = arith.constant 0 : index
    %get3A_1 = vector.load %arg2[%get3A, %get3A_0] : memref<3200x1xi32, #tpu.memory_space<vmem>>, vector<3200x1xi32>
    %iota3A = tpu.iota {dimensions = array<i32: 1>} : vector<1x16xi32>
    %eq3A = vector.broadcast %get3A_1 : vector<3200x1xi32> to vector<3200x16xi32>
    %eq3A_2 = vector.broadcast %iota3A : vector<1x16xi32> to vector<3200x16xi32>
    %eq3A_3 = arith.cmpi eq, %eq3A, %eq3A_2 : vector<3200x16xi32>
    %convert_element_type3A = arith.extui %eq3A_3 : vector<3200x16xi1> to vector<3200x16xi32>
    %convert_element_type3A_4 = arith.sitofp %convert_element_type3A : vector<3200x16xi32> to vector<3200x16xf32>
    %get3A_5 = arith.constant 0 : index
    %get3A_6 = arith.constant 0 : index
    %get3A_7 = vector.load %arg3[%get3A_5, %get3A_6] : memref<16x128xf32, #tpu.memory_space<vmem>>, vector<16x128xf32>
    %dot_general3A = arith.constant dense<0.000000e+00> : vector<3200x128xf32>
    %dot_general3A_8 = tpu.matmul %convert_element_type3A_4, %get3A_7, %dot_general3A {dimension_numbers = #tpu.dot_dimension_numbers<[1], [0], [0], [1], [0, 0, 1, 1], [], []>, precision = #tpu.contract_precision<fp32>, transpose_lhs_hint = false} : vector<3200x16xf32>, vector<16x128xf32>, vector<3200x128xf32> -> vector<3200x128xf32>
    %get3A_9 = arith.constant 0 : index
    %get3A_10 = arith.constant 0 : index
    %get3A_11 = vector.load %arg1[%get3A_9, %get3A_10] : memref<3200x128xf32, #tpu.memory_space<vmem>>, vector<3200x128xf32>
    %add3A = arith.addf %get3A_11, %dot_general3A_8 : vector<3200x128xf32>
    %get3A_12 = arith.constant 0 : index
    %get3A_13 = arith.constant 0 : index
    %get3A_14 = vector.load %arg10[%get3A_12, %get3A_13] : memref<1x128xf32, #tpu.memory_space<vmem>>, vector<1x128xf32>
    %get3A_15 = arith.constant 0 : index
    %get3A_16 = arith.constant 0 : index
    %get3A_17 = vector.load %arg4[%get3A_15, %get3A_16] : memref<128x128xf32, #tpu.memory_space<vmem>>, vector<128x128xf32>
    %dot_general3A_18 = arith.constant dense<0.000000e+00> : vector<1x128xf32>
    %dot_general3A_19 = tpu.matmul %get3A_14, %get3A_17, %dot_general3A_18 {dimension_numbers = #tpu.dot_dimension_numbers<[1], [0], [0], [1], [0, 0, 1, 1], [], []>, transpose_lhs_hint = false} : vector<1x128xf32>, vector<128x128xf32>, vector<1x128xf32> -> vector<1x128xf32>
    %get3A_20 = arith.constant 0 : index
    %get3A_21 = arith.constant 0 : index
    %get3A_22 = vector.load %arg5[%get3A_20, %get3A_21] : memref<1x128xf32, #tpu.memory_space<vmem>>, vector<1x128xf32>
    %add3A_23 = arith.addf %dot_general3A_19, %get3A_22 : vector<1x128xf32>
    %get3A_24 = arith.constant 0 : index
    %get3A_25 = arith.constant 0 : index
    %get3A_26 = vector.load %arg6[%get3A_24, %get3A_25] : memref<128x128xf32, #tpu.memory_space<vmem>>, vector<128x128xf32>
    %dot_general3A_27 = arith.constant dense<0.000000e+00> : vector<3200x128xf32>
    %dot_general3A_28 = tpu.matmul %add3A, %get3A_26, %dot_general3A_27 {dimension_numbers = #tpu.dot_dimension_numbers<[1], [0], [0], [1], [0, 0, 1, 1], [], []>, transpose_lhs_hint = false} : vector<3200x128xf32>, vector<128x128xf32>, vector<3200x128xf32> -> vector<3200x128xf32>
    %get3A_29 = arith.constant 0 : index
    %get3A_30 = arith.constant 0 : index
    %get3A_31 = vector.load %arg7[%get3A_29, %get3A_30] : memref<1x128xf32, #tpu.memory_space<vmem>>, vector<1x128xf32>
    %add3A_32 = vector.broadcast %get3A_31 : vector<1x128xf32> to vector<3200x128xf32>
    %add3A_33 = arith.addf %dot_general3A_28, %add3A_32 : vector<3200x128xf32>
    %convert_element_type3A_34 = arith.truncf %add3A_33 : vector<3200x128xf32> to vector<3200x128xbf16>
    %convert_element_type3A_35 = arith.extf %convert_element_type3A_34 : vector<3200x128xbf16> to vector<3200x128xf32>
    %convert_element_type3A_36 = arith.truncf %add3A_23 : vector<1x128xf32> to vector<1x128xbf16>
    %convert_element_type3A_37 = arith.extf %convert_element_type3A_36 : vector<1x128xbf16> to vector<1x128xf32>
    %mul3A = vector.broadcast %convert_element_type3A_37 : vector<1x128xf32> to vector<3200x128xf32>
    %mul3A_38 = arith.mulf %convert_element_type3A_35, %mul3A : vector<3200x128xf32>
    %reduce_sum3A = arith.constant dense<0.000000e+00> : vector<3200xf32>
    %reduce_sum3A_39 = vector.multi_reduction <add>, %mul3A_38, %reduce_sum3A [1] : vector<3200x128xf32> to vector<3200xf32>
    %broadcast_in_dim3A = vector.shape_cast %reduce_sum3A_39 : vector<3200xf32> to vector<3200x1xf32>
    %swap3A = arith.constant 0 : index
    %swap3A_40 = arith.constant 0 : index
    %swap3A_41 = vector.load %arg11[%swap3A, %swap3A_40] : memref<3200x1xf32, #tpu.memory_space<vmem>>, vector<3200x1xf32>
    tpu.vector_store %arg11[%swap3A, %swap3A_40], %broadcast_in_dim3A {strides = array<i32>} : memref<3200x1xf32, #tpu.memory_space<vmem>>, vector<3200x1xf32>,
    %get3A_42 = arith.constant 0 : index
    %get3A_43 = arith.constant 0 : index
    %get3A_44 = vector.load %arg8[%get3A_42, %get3A_43] : memref<128x128xf32, #tpu.memory_space<vmem>>, vector<128x128xf32>
    %dot_general3A_45 = arith.constant dense<0.000000e+00> : vector<3200x128xf32>
    %dot_general3A_46 = tpu.matmul %add3A, %get3A_44, %dot_general3A_45 {dimension_numbers = #tpu.dot_dimension_numbers<[1], [0], [0], [1], [0, 0, 1, 1], [], []>, transpose_lhs_hint = false} : vector<3200x128xf32>, vector<128x128xf32>, vector<3200x128xf32> -> vector<3200x128xf32>
    %get3A_47 = arith.constant 0 : index
    %get3A_48 = arith.constant 0 : index
    %get3A_49 = vector.load %arg9[%get3A_47, %get3A_48] : memref<1x128xf32, #tpu.memory_space<vmem>>, vector<1x128xf32>
    %add3A_50 = vector.broadcast %get3A_49 : vector<1x128xf32> to vector<3200x128xf32>
    %add3A_51 = arith.addf %dot_general3A_46, %add3A_50 : vector<3200x128xf32>
    %convert_element_type3A_52 = arith.truncf %add3A_51 : vector<3200x128xf32> to vector<3200x128xbf16>
    %swap3A_53 = arith.constant 0 : index
    %swap3A_54 = arith.constant 0 : index
    %swap3A_55 = vector.load %arg12[%swap3A_53, %swap3A_54] : memref<3200x128xbf16, #tpu.memory_space<vmem>>, vector<3200x128xbf16>
    tpu.vector_store %arg12[%swap3A_53, %swap3A_54], %convert_element_type3A_52 {strides = array<i32>} : memref<3200x128xbf16, #tpu.memory_space<vmem>>, vector<3200x128xbf16>,
    return
  }
  func.func @transform_0(%arg0: i32) -> (i32, i32) {
    %c0_i32 = arith.constant 0 : i32
    %c0_i32_0 = arith.constant 0 : i32
    return %arg0, %c0_i32 : i32, i32
  }
  func.func @transform_1(%arg0: i32) -> (i32, i32) {
    %c0_i32 = arith.constant 0 : i32
    %c0_i32_0 = arith.constant 0 : i32
    return %arg0, %c0_i32 : i32, i32
  }
  func.func @transform_2(%arg0: i32) -> (i32, i32) {
    %c0_i32 = arith.constant 0 : i32
    %c0_i32_0 = arith.constant 0 : i32
    %c0_i32_1 = arith.constant 0 : i32
    return %c0_i32, %c0_i32_0 : i32, i32
  }
  func.func @transform_3(%arg0: i32) -> (i32, i32) {
    %c0_i32 = arith.constant 0 : i32
    %c0_i32_0 = arith.constant 0 : i32
    %c0_i32_1 = arith.constant 0 : i32
    return %c0_i32, %c0_i32_0 : i32, i32
  }
  func.func @transform_4(%arg0: i32) -> (i32, i32) {
    %c0_i32 = arith.constant 0 : i32
    %c0_i32_0 = arith.constant 0 : i32
    %c0_i32_1 = arith.constant 0 : i32
    return %c0_i32, %c0_i32_0 : i32, i32
  }
  func.func @transform_5(%arg0: i32) -> (i32, i32) {
    %c0_i32 = arith.constant 0 : i32
    %c0_i32_0 = arith.constant 0 : i32
    %c0_i32_1 = arith.constant 0 : i32
    return %c0_i32, %c0_i32_0 : i32, i32
  }
  func.func @transform_6(%arg0: i32) -> (i32, i32) {
    %c0_i32 = arith.constant 0 : i32
    %c0_i32_0 = arith.constant 0 : i32
    %c0_i32_1 = arith.constant 0 : i32
    return %c0_i32, %c0_i32_0 : i32, i32
  }
  func.func @transform_7(%arg0: i32) -> (i32, i32) {
    %c0_i32 = arith.constant 0 : i32
    %c0_i32_0 = arith.constant 0 : i32
    %c0_i32_1 = arith.constant 0 : i32
    return %c0_i32, %c0_i32_0 : i32, i32
  }
  func.func @transform_8(%arg0: i32) -> (i32, i32) {
    %c0_i32 = arith.constant 0 : i32
    %c0_i32_0 = arith.constant 0 : i32
    %c0_i32_1 = arith.constant 0 : i32
    return %c0_i32, %c0_i32_0 : i32, i32
  }
  func.func @transform_9(%arg0: i32) -> (i32, i32) {
    %c0_i32 = arith.constant 0 : i32
    %c0_i32_0 = arith.constant 0 : i32
    %c0_i32_1 = arith.constant 0 : i32
    return %c0_i32, %c0_i32_0 : i32, i32
  }
  func.func @transform_10(%arg0: i32) -> (i32, i32) {
    %c0_i32 = arith.constant 0 : i32
    %c0_i32_0 = arith.constant 0 : i32
    return %arg0, %c0_i32 : i32, i32
  }
  func.func @transform_11(%arg0: i32) -> (i32, i32) {
    %c0_i32 = arith.constant 0 : i32
    %c0_i32_0 = arith.constant 0 : i32
    return %arg0, %c0_i32 : i32, i32
  }
}

module attributes {stable_mosaic.version = 14 : i64} {
  func.func @_route_body(%arg0: i32, %arg1: memref<128x50xf32, #tpu.memory_space<vmem>>, %arg2: memref<128x50x128xbf16, #tpu.memory_space<vmem>>, %arg3: memref<1x128xf32, #tpu.memory_space<vmem>>, %arg4: memref<1x128xf32, #tpu.memory_space<vmem>>, %arg5: memref<128x8xf32, #tpu.memory_space<vmem>>, %arg6: memref<1x8xf32, #tpu.memory_space<vmem>>, %arg7: memref<1x8xf32, #tpu.memory_space<vmem>>, %arg8: memref<128x8xf32, #tpu.memory_space<vmem>>, %arg9: memref<128x2xi32, #tpu.memory_space<vmem>>) attributes {dimension_semantics = [#tpu.dimension_semantics<arbitrary>], iteration_bounds = array<i64: 8>, scalar_prefetch = 0 : i64, scratch_operands = 0 : i64, tpu.core_type = #tpu.core_type<tc>, window_params = [{transform_indices = @transform_0, window_bounds = array<i64: 128, 50>}, {transform_indices = @transform_1, window_bounds = array<i64: 128, 50, 128>}, {pipeline_mode = #tpu.pipeline_mode<synchronous>, transform_indices = @transform_2, window_bounds = array<i64: 1, 128>}, {pipeline_mode = #tpu.pipeline_mode<synchronous>, transform_indices = @transform_3, window_bounds = array<i64: 1, 128>}, {pipeline_mode = #tpu.pipeline_mode<synchronous>, transform_indices = @transform_4, window_bounds = array<i64: 128, 8>}, {pipeline_mode = #tpu.pipeline_mode<synchronous>, transform_indices = @transform_5, window_bounds = array<i64: 1, 8>}, {pipeline_mode = #tpu.pipeline_mode<synchronous>, transform_indices = @transform_6, window_bounds = array<i64: 1, 8>}, {transform_indices = @transform_7, window_bounds = array<i64: 128, 8>}, {transform_indices = @transform_8, window_bounds = array<i64: 128, 2>}]} {
    %get3A = arith.constant 0 : index
    %get3A_0 = arith.constant 0 : index
    %get3A_1 = vector.load %arg1[%get3A, %get3A_0] : memref<128x50xf32, #tpu.memory_space<vmem>>, vector<128x50xf32>
    %reduce_max3A = arith.constant dense<0xFF800000> : vector<128xf32>
    %reduce_max3A_2 = vector.multi_reduction <maximumf>, %get3A_1, %reduce_max3A [1] : vector<128x50xf32> to vector<128xf32>
    %broadcast_in_dim3A = vector.shape_cast %reduce_max3A_2 : vector<128xf32> to vector<128x1xf32>
    %sub3A = vector.broadcast %broadcast_in_dim3A : vector<128x1xf32> to vector<128x50xf32>
    %sub3A_3 = arith.subf %get3A_1, %sub3A : vector<128x50xf32>
    %exp3A = math.exp %sub3A_3 : vector<128x50xf32>
    %reduce_sum3A = arith.constant dense<0.000000e+00> : vector<128xf32>
    %reduce_sum3A_4 = vector.multi_reduction <add>, %exp3A, %reduce_sum3A [1] : vector<128x50xf32> to vector<128xf32>
    %broadcast_in_dim3A_5 = vector.shape_cast %reduce_sum3A_4 : vector<128xf32> to vector<128x1xf32>
    %div3A = vector.broadcast %broadcast_in_dim3A_5 : vector<128x1xf32> to vector<128x50xf32>
    %div3A_6 = arith.divf %exp3A, %div3A : vector<128x50xf32>
    %convert_element_type3A = arith.truncf %div3A_6 : vector<128x50xf32> to vector<128x50xbf16>
    %convert_element_type3A_7 = arith.extf %convert_element_type3A : vector<128x50xbf16> to vector<128x50xf32>
    %broadcast_in_dim3A_8 = arith.constant 0.000000e+00 : f32
    %broadcast_in_dim3A_9 = vector.broadcast %broadcast_in_dim3A_8 : f32 to vector<128x128xf32>
    %broadcast_in_dim3A_10 = arith.constant 0.000000e+00 : f32
    %broadcast_in_dim3A_11 = vector.broadcast %broadcast_in_dim3A_10 : f32 to vector<128x128xf32>
    %broadcast_in_dim3A_12 = arith.constant 0.000000e+00 : f32
    %broadcast_in_dim3A_13 = vector.broadcast %broadcast_in_dim3A_12 : f32 to vector<128x128xf32>
    %broadcast_in_dim3A_14 = arith.constant 0.000000e+00 : f32
    %broadcast_in_dim3A_15 = vector.broadcast %broadcast_in_dim3A_14 : f32 to vector<128x128xf32>
    %get3A_16 = arith.constant 0 : index
    %get3A_17 = arith.constant 0 : index
    %get3A_18 = arith.constant 0 : index
    %get3A_19 = vector.load %arg2[%get3A_16, %get3A_17, %get3A_18] : memref<128x50x128xbf16, #tpu.memory_space<vmem>>, vector<128x1x128xbf16>
    %get3A_20 = vector.shape_cast %get3A_19 : vector<128x1x128xbf16> to vector<128x128xbf16>
    %convert_element_type3A_21 = arith.extf %get3A_20 : vector<128x128xbf16> to vector<128x128xf32>
    %slice3A = vector.extract_strided_slice %convert_element_type3A_7 {offsets = [0, 0], sizes = [128, 1], strides = [1, 1]} : vector<128x50xf32> to vector<128x1xf32>
    %mul3A = vector.broadcast %slice3A : vector<128x1xf32> to vector<128x128xf32>
    %mul3A_22 = arith.mulf %convert_element_type3A_21, %mul3A : vector<128x128xf32>
    %add3A = arith.addf %broadcast_in_dim3A_9, %mul3A_22 : vector<128x128xf32>
    %get3A_23 = arith.constant 0 : index
    %get3A_24 = arith.constant 1 : index
    %get3A_25 = arith.constant 0 : index
    %get3A_26 = vector.load %arg2[%get3A_23, %get3A_24, %get3A_25] : memref<128x50x128xbf16, #tpu.memory_space<vmem>>, vector<128x1x128xbf16>
    %get3A_27 = vector.shape_cast %get3A_26 : vector<128x1x128xbf16> to vector<128x128xbf16>
    %convert_element_type3A_28 = arith.extf %get3A_27 : vector<128x128xbf16> to vector<128x128xf32>
    %slice3A_29 = vector.extract_strided_slice %convert_element_type3A_7 {offsets = [0, 1], sizes = [128, 1], strides = [1, 1]} : vector<128x50xf32> to vector<128x1xf32>
    %mul3A_30 = vector.broadcast %slice3A_29 : vector<128x1xf32> to vector<128x128xf32>
    %mul3A_31 = arith.mulf %convert_element_type3A_28, %mul3A_30 : vector<128x128xf32>
    %add3A_32 = arith.addf %broadcast_in_dim3A_11, %mul3A_31 : vector<128x128xf32>
    %get3A_33 = arith.constant 0 : index
    %get3A_34 = arith.constant 2 : index
    %get3A_35 = arith.constant 0 : index
    %get3A_36 = vector.load %arg2[%get3A_33, %get3A_34, %get3A_35] : memref<128x50x128xbf16, #tpu.memory_space<vmem>>, vector<128x1x128xbf16>
    %get3A_37 = vector.shape_cast %get3A_36 : vector<128x1x128xbf16> to vector<128x128xbf16>
    %convert_element_type3A_38 = arith.extf %get3A_37 : vector<128x128xbf16> to vector<128x128xf32>
    %slice3A_39 = vector.extract_strided_slice %convert_element_type3A_7 {offsets = [0, 2], sizes = [128, 1], strides = [1, 1]} : vector<128x50xf32> to vector<128x1xf32>
    %mul3A_40 = vector.broadcast %slice3A_39 : vector<128x1xf32> to vector<128x128xf32>
    %mul3A_41 = arith.mulf %convert_element_type3A_38, %mul3A_40 : vector<128x128xf32>
    %add3A_42 = arith.addf %broadcast_in_dim3A_13, %mul3A_41 : vector<128x128xf32>
    %get3A_43 = arith.constant 0 : index
    %get3A_44 = arith.constant 3 : index
    %get3A_45 = arith.constant 0 : index
    %get3A_46 = vector.load %arg2[%get3A_43, %get3A_44, %get3A_45] : memref<128x50x128xbf16, #tpu.memory_space<vmem>>, vector<128x1x128xbf16>
    %get3A_47 = vector.shape_cast %get3A_46 : vector<128x1x128xbf16> to vector<128x128xbf16>
    %convert_element_type3A_48 = arith.extf %get3A_47 : vector<128x128xbf16> to vector<128x128xf32>
    %slice3A_49 = vector.extract_strided_slice %convert_element_type3A_7 {offsets = [0, 3], sizes = [128, 1], strides = [1, 1]} : vector<128x50xf32> to vector<128x1xf32>
    %mul3A_50 = vector.broadcast %slice3A_49 : vector<128x1xf32> to vector<128x128xf32>
    %mul3A_51 = arith.mulf %convert_element_type3A_48, %mul3A_50 : vector<128x128xf32>
    %add3A_52 = arith.addf %broadcast_in_dim3A_15, %mul3A_51 : vector<128x128xf32>
    %get3A_53 = arith.constant 0 : index
    %get3A_54 = arith.constant 4 : index
    %get3A_55 = arith.constant 0 : index
    %get3A_56 = vector.load %arg2[%get3A_53, %get3A_54, %get3A_55] : memref<128x50x128xbf16, #tpu.memory_space<vmem>>, vector<128x1x128xbf16>
    %get3A_57 = vector.shape_cast %get3A_56 : vector<128x1x128xbf16> to vector<128x128xbf16>
    %convert_element_type3A_58 = arith.extf %get3A_57 : vector<128x128xbf16> to vector<128x128xf32>
    %slice3A_59 = vector.extract_strided_slice %convert_element_type3A_7 {offsets = [0, 4], sizes = [128, 1], strides = [1, 1]} : vector<128x50xf32> to vector<128x1xf32>
    %mul3A_60 = vector.broadcast %slice3A_59 : vector<128x1xf32> to vector<128x128xf32>
    %mul3A_61 = arith.mulf %convert_element_type3A_58, %mul3A_60 : vector<128x128xf32>
    %add3A_62 = arith.addf %add3A, %mul3A_61 : vector<128x128xf32>
    %get3A_63 = arith.constant 0 : index
    %get3A_64 = arith.constant 5 : index
    %get3A_65 = arith.constant 0 : index
    %get3A_66 = vector.load %arg2[%get3A_63, %get3A_64, %get3A_65] : memref<128x50x128xbf16, #tpu.memory_space<vmem>>, vector<128x1x128xbf16>
    %get3A_67 = vector.shape_cast %get3A_66 : vector<128x1x128xbf16> to vector<128x128xbf16>
    %convert_element_type3A_68 = arith.extf %get3A_67 : vector<128x128xbf16> to vector<128x128xf32>
    %slice3A_69 = vector.extract_strided_slice %convert_element_type3A_7 {offsets = [0, 5], sizes = [128, 1], strides = [1, 1]} : vector<128x50xf32> to vector<128x1xf32>
    %mul3A_70 = vector.broadcast %slice3A_69 : vector<128x1xf32> to vector<128x128xf32>
    %mul3A_71 = arith.mulf %convert_element_type3A_68, %mul3A_70 : vector<128x128xf32>
    %add3A_72 = arith.addf %add3A_32, %mul3A_71 : vector<128x128xf32>
    %get3A_73 = arith.constant 0 : index
    %get3A_74 = arith.constant 6 : index
    %get3A_75 = arith.constant 0 : index
    %get3A_76 = vector.load %arg2[%get3A_73, %get3A_74, %get3A_75] : memref<128x50x128xbf16, #tpu.memory_space<vmem>>, vector<128x1x128xbf16>
    %get3A_77 = vector.shape_cast %get3A_76 : vector<128x1x128xbf16> to vector<128x128xbf16>
    %convert_element_type3A_78 = arith.extf %get3A_77 : vector<128x128xbf16> to vector<128x128xf32>
    %slice3A_79 = vector.extract_strided_slice %convert_element_type3A_7 {offsets = [0, 6], sizes = [128, 1], strides = [1, 1]} : vector<128x50xf32> to vector<128x1xf32>
    %mul3A_80 = vector.broadcast %slice3A_79 : vector<128x1xf32> to vector<128x128xf32>
    %mul3A_81 = arith.mulf %convert_element_type3A_78, %mul3A_80 : vector<128x128xf32>
    %add3A_82 = arith.addf %add3A_42, %mul3A_81 : vector<128x128xf32>
    %get3A_83 = arith.constant 0 : index
    %get3A_84 = arith.constant 7 : index
    %get3A_85 = arith.constant 0 : index
    %get3A_86 = vector.load %arg2[%get3A_83, %get3A_84, %get3A_85] : memref<128x50x128xbf16, #tpu.memory_space<vmem>>, vector<128x1x128xbf16>
    %get3A_87 = vector.shape_cast %get3A_86 : vector<128x1x128xbf16> to vector<128x128xbf16>
    %convert_element_type3A_88 = arith.extf %get3A_87 : vector<128x128xbf16> to vector<128x128xf32>
    %slice3A_89 = vector.extract_strided_slice %convert_element_type3A_7 {offsets = [0, 7], sizes = [128, 1], strides = [1, 1]} : vector<128x50xf32> to vector<128x1xf32>
    %mul3A_90 = vector.broadcast %slice3A_89 : vector<128x1xf32> to vector<128x128xf32>
    %mul3A_91 = arith.mulf %convert_element_type3A_88, %mul3A_90 : vector<128x128xf32>
    %add3A_92 = arith.addf %add3A_52, %mul3A_91 : vector<128x128xf32>
    %get3A_93 = arith.constant 0 : index
    %get3A_94 = arith.constant 8 : index
    %get3A_95 = arith.constant 0 : index
    %get3A_96 = vector.load %arg2[%get3A_93, %get3A_94, %get3A_95] : memref<128x50x128xbf16, #tpu.memory_space<vmem>>, vector<128x1x128xbf16>
    %get3A_97 = vector.shape_cast %get3A_96 : vector<128x1x128xbf16> to vector<128x128xbf16>
    %convert_element_type3A_98 = arith.extf %get3A_97 : vector<128x128xbf16> to vector<128x128xf32>
    %slice3A_99 = vector.extract_strided_slice %convert_element_type3A_7 {offsets = [0, 8], sizes = [128, 1], strides = [1, 1]} : vector<128x50xf32> to vector<128x1xf32>
    %mul3A_100 = vector.broadcast %slice3A_99 : vector<128x1xf32> to vector<128x128xf32>
    %mul3A_101 = arith.mulf %convert_element_type3A_98, %mul3A_100 : vector<128x128xf32>
    %add3A_102 = arith.addf %add3A_62, %mul3A_101 : vector<128x128xf32>
    %get3A_103 = arith.constant 0 : index
    %get3A_104 = arith.constant 9 : index
    %get3A_105 = arith.constant 0 : index
    %get3A_106 = vector.load %arg2[%get3A_103, %get3A_104, %get3A_105] : memref<128x50x128xbf16, #tpu.memory_space<vmem>>, vector<128x1x128xbf16>
    %get3A_107 = vector.shape_cast %get3A_106 : vector<128x1x128xbf16> to vector<128x128xbf16>
    %convert_element_type3A_108 = arith.extf %get3A_107 : vector<128x128xbf16> to vector<128x128xf32>
    %slice3A_109 = vector.extract_strided_slice %convert_element_type3A_7 {offsets = [0, 9], sizes = [128, 1], strides = [1, 1]} : vector<128x50xf32> to vector<128x1xf32>
    %mul3A_110 = vector.broadcast %slice3A_109 : vector<128x1xf32> to vector<128x128xf32>
    %mul3A_111 = arith.mulf %convert_element_type3A_108, %mul3A_110 : vector<128x128xf32>
    %add3A_112 = arith.addf %add3A_72, %mul3A_111 : vector<128x128xf32>
    %get3A_113 = arith.constant 0 : index
    %get3A_114 = arith.constant 10 : index
    %get3A_115 = arith.constant 0 : index
    %get3A_116 = vector.load %arg2[%get3A_113, %get3A_114, %get3A_115] : memref<128x50x128xbf16, #tpu.memory_space<vmem>>, vector<128x1x128xbf16>
    %get3A_117 = vector.shape_cast %get3A_116 : vector<128x1x128xbf16> to vector<128x128xbf16>
    %convert_element_type3A_118 = arith.extf %get3A_117 : vector<128x128xbf16> to vector<128x128xf32>
    %slice3A_119 = vector.extract_strided_slice %convert_element_type3A_7 {offsets = [0, 10], sizes = [128, 1], strides = [1, 1]} : vector<128x50xf32> to vector<128x1xf32>
    %mul3A_120 = vector.broadcast %slice3A_119 : vector<128x1xf32> to vector<128x128xf32>
    %mul3A_121 = arith.mulf %convert_element_type3A_118, %mul3A_120 : vector<128x128xf32>
    %add3A_122 = arith.addf %add3A_82, %mul3A_121 : vector<128x128xf32>
    %get3A_123 = arith.constant 0 : index
    %get3A_124 = arith.constant 11 : index
    %get3A_125 = arith.constant 0 : index
    %get3A_126 = vector.load %arg2[%get3A_123, %get3A_124, %get3A_125] : memref<128x50x128xbf16, #tpu.memory_space<vmem>>, vector<128x1x128xbf16>
    %get3A_127 = vector.shape_cast %get3A_126 : vector<128x1x128xbf16> to vector<128x128xbf16>
    %convert_element_type3A_128 = arith.extf %get3A_127 : vector<128x128xbf16> to vector<128x128xf32>
    %slice3A_129 = vector.extract_strided_slice %convert_element_type3A_7 {offsets = [0, 11], sizes = [128, 1], strides = [1, 1]} : vector<128x50xf32> to vector<128x1xf32>
    %mul3A_130 = vector.broadcast %slice3A_129 : vector<128x1xf32> to vector<128x128xf32>
    %mul3A_131 = arith.mulf %convert_element_type3A_128, %mul3A_130 : vector<128x128xf32>
    %add3A_132 = arith.addf %add3A_92, %mul3A_131 : vector<128x128xf32>
    %get3A_133 = arith.constant 0 : index
    %get3A_134 = arith.constant 12 : index
    %get3A_135 = arith.constant 0 : index
    %get3A_136 = vector.load %arg2[%get3A_133, %get3A_134, %get3A_135] : memref<128x50x128xbf16, #tpu.memory_space<vmem>>, vector<128x1x128xbf16>
    %get3A_137 = vector.shape_cast %get3A_136 : vector<128x1x128xbf16> to vector<128x128xbf16>
    %convert_element_type3A_138 = arith.extf %get3A_137 : vector<128x128xbf16> to vector<128x128xf32>
    %slice3A_139 = vector.extract_strided_slice %convert_element_type3A_7 {offsets = [0, 12], sizes = [128, 1], strides = [1, 1]} : vector<128x50xf32> to vector<128x1xf32>
    %mul3A_140 = vector.broadcast %slice3A_139 : vector<128x1xf32> to vector<128x128xf32>
    %mul3A_141 = arith.mulf %convert_element_type3A_138, %mul3A_140 : vector<128x128xf32>
    %add3A_142 = arith.addf %add3A_102, %mul3A_141 : vector<128x128xf32>
    %get3A_143 = arith.constant 0 : index
    %get3A_144 = arith.constant 13 : index
    %get3A_145 = arith.constant 0 : index
    %get3A_146 = vector.load %arg2[%get3A_143, %get3A_144, %get3A_145] : memref<128x50x128xbf16, #tpu.memory_space<vmem>>, vector<128x1x128xbf16>
    %get3A_147 = vector.shape_cast %get3A_146 : vector<128x1x128xbf16> to vector<128x128xbf16>
    %convert_element_type3A_148 = arith.extf %get3A_147 : vector<128x128xbf16> to vector<128x128xf32>
    %slice3A_149 = vector.extract_strided_slice %convert_element_type3A_7 {offsets = [0, 13], sizes = [128, 1], strides = [1, 1]} : vector<128x50xf32> to vector<128x1xf32>
    %mul3A_150 = vector.broadcast %slice3A_149 : vector<128x1xf32> to vector<128x128xf32>
    %mul3A_151 = arith.mulf %convert_element_type3A_148, %mul3A_150 : vector<128x128xf32>
    %add3A_152 = arith.addf %add3A_112, %mul3A_151 : vector<128x128xf32>
    %get3A_153 = arith.constant 0 : index
    %get3A_154 = arith.constant 14 : index
    %get3A_155 = arith.constant 0 : index
    %get3A_156 = vector.load %arg2[%get3A_153, %get3A_154, %get3A_155] : memref<128x50x128xbf16, #tpu.memory_space<vmem>>, vector<128x1x128xbf16>
    %get3A_157 = vector.shape_cast %get3A_156 : vector<128x1x128xbf16> to vector<128x128xbf16>
    %convert_element_type3A_158 = arith.extf %get3A_157 : vector<128x128xbf16> to vector<128x128xf32>
    %slice3A_159 = vector.extract_strided_slice %convert_element_type3A_7 {offsets = [0, 14], sizes = [128, 1], strides = [1, 1]} : vector<128x50xf32> to vector<128x1xf32>
    %mul3A_160 = vector.broadcast %slice3A_159 : vector<128x1xf32> to vector<128x128xf32>
    %mul3A_161 = arith.mulf %convert_element_type3A_158, %mul3A_160 : vector<128x128xf32>
    %add3A_162 = arith.addf %add3A_122, %mul3A_161 : vector<128x128xf32>
    %get3A_163 = arith.constant 0 : index
    %get3A_164 = arith.constant 15 : index
    %get3A_165 = arith.constant 0 : index
    %get3A_166 = vector.load %arg2[%get3A_163, %get3A_164, %get3A_165] : memref<128x50x128xbf16, #tpu.memory_space<vmem>>, vector<128x1x128xbf16>
    %get3A_167 = vector.shape_cast %get3A_166 : vector<128x1x128xbf16> to vector<128x128xbf16>
    %convert_element_type3A_168 = arith.extf %get3A_167 : vector<128x128xbf16> to vector<128x128xf32>
    %slice3A_169 = vector.extract_strided_slice %convert_element_type3A_7 {offsets = [0, 15], sizes = [128, 1], strides = [1, 1]} : vector<128x50xf32> to vector<128x1xf32>
    %mul3A_170 = vector.broadcast %slice3A_169 : vector<128x1xf32> to vector<128x128xf32>
    %mul3A_171 = arith.mulf %convert_element_type3A_168, %mul3A_170 : vector<128x128xf32>
    %add3A_172 = arith.addf %add3A_132, %mul3A_171 : vector<128x128xf32>
    %get3A_173 = arith.constant 0 : index
    %get3A_174 = arith.constant 16 : index
    %get3A_175 = arith.constant 0 : index
    %get3A_176 = vector.load %arg2[%get3A_173, %get3A_174, %get3A_175] : memref<128x50x128xbf16, #tpu.memory_space<vmem>>, vector<128x1x128xbf16>
    %get3A_177 = vector.shape_cast %get3A_176 : vector<128x1x128xbf16> to vector<128x128xbf16>
    %convert_element_type3A_178 = arith.extf %get3A_177 : vector<128x128xbf16> to vector<128x128xf32>
    %slice3A_179 = vector.extract_strided_slice %convert_element_type3A_7 {offsets = [0, 16], sizes = [128, 1], strides = [1, 1]} : vector<128x50xf32> to vector<128x1xf32>
    %mul3A_180 = vector.broadcast %slice3A_179 : vector<128x1xf32> to vector<128x128xf32>
    %mul3A_181 = arith.mulf %convert_element_type3A_178, %mul3A_180 : vector<128x128xf32>
    %add3A_182 = arith.addf %add3A_142, %mul3A_181 : vector<128x128xf32>
    %get3A_183 = arith.constant 0 : index
    %get3A_184 = arith.constant 17 : index
    %get3A_185 = arith.constant 0 : index
    %get3A_186 = vector.load %arg2[%get3A_183, %get3A_184, %get3A_185] : memref<128x50x128xbf16, #tpu.memory_space<vmem>>, vector<128x1x128xbf16>
    %get3A_187 = vector.shape_cast %get3A_186 : vector<128x1x128xbf16> to vector<128x128xbf16>
    %convert_element_type3A_188 = arith.extf %get3A_187 : vector<128x128xbf16> to vector<128x128xf32>
    %slice3A_189 = vector.extract_strided_slice %convert_element_type3A_7 {offsets = [0, 17], sizes = [128, 1], strides = [1, 1]} : vector<128x50xf32> to vector<128x1xf32>
    %mul3A_190 = vector.broadcast %slice3A_189 : vector<128x1xf32> to vector<128x128xf32>
    %mul3A_191 = arith.mulf %convert_element_type3A_188, %mul3A_190 : vector<128x128xf32>
    %add3A_192 = arith.addf %add3A_152, %mul3A_191 : vector<128x128xf32>
    %get3A_193 = arith.constant 0 : index
    %get3A_194 = arith.constant 18 : index
    %get3A_195 = arith.constant 0 : index
    %get3A_196 = vector.load %arg2[%get3A_193, %get3A_194, %get3A_195] : memref<128x50x128xbf16, #tpu.memory_space<vmem>>, vector<128x1x128xbf16>
    %get3A_197 = vector.shape_cast %get3A_196 : vector<128x1x128xbf16> to vector<128x128xbf16>
    %convert_element_type3A_198 = arith.extf %get3A_197 : vector<128x128xbf16> to vector<128x128xf32>
    %slice3A_199 = vector.extract_strided_slice %convert_element_type3A_7 {offsets = [0, 18], sizes = [128, 1], strides = [1, 1]} : vector<128x50xf32> to vector<128x1xf32>
    %mul3A_200 = vector.broadcast %slice3A_199 : vector<128x1xf32> to vector<128x128xf32>
    %mul3A_201 = arith.mulf %convert_element_type3A_198, %mul3A_200 : vector<128x128xf32>
    %add3A_202 = arith.addf %add3A_162, %mul3A_201 : vector<128x128xf32>
    %get3A_203 = arith.constant 0 : index
    %get3A_204 = arith.constant 19 : index
    %get3A_205 = arith.constant 0 : index
    %get3A_206 = vector.load %arg2[%get3A_203, %get3A_204, %get3A_205] : memref<128x50x128xbf16, #tpu.memory_space<vmem>>, vector<128x1x128xbf16>
    %get3A_207 = vector.shape_cast %get3A_206 : vector<128x1x128xbf16> to vector<128x128xbf16>
    %convert_element_type3A_208 = arith.extf %get3A_207 : vector<128x128xbf16> to vector<128x128xf32>
    %slice3A_209 = vector.extract_strided_slice %convert_element_type3A_7 {offsets = [0, 19], sizes = [128, 1], strides = [1, 1]} : vector<128x50xf32> to vector<128x1xf32>
    %mul3A_210 = vector.broadcast %slice3A_209 : vector<128x1xf32> to vector<128x128xf32>
    %mul3A_211 = arith.mulf %convert_element_type3A_208, %mul3A_210 : vector<128x128xf32>
    %add3A_212 = arith.addf %add3A_172, %mul3A_211 : vector<128x128xf32>
    %get3A_213 = arith.constant 0 : index
    %get3A_214 = arith.constant 20 : index
    %get3A_215 = arith.constant 0 : index
    %get3A_216 = vector.load %arg2[%get3A_213, %get3A_214, %get3A_215] : memref<128x50x128xbf16, #tpu.memory_space<vmem>>, vector<128x1x128xbf16>
    %get3A_217 = vector.shape_cast %get3A_216 : vector<128x1x128xbf16> to vector<128x128xbf16>
    %convert_element_type3A_218 = arith.extf %get3A_217 : vector<128x128xbf16> to vector<128x128xf32>
    %slice3A_219 = vector.extract_strided_slice %convert_element_type3A_7 {offsets = [0, 20], sizes = [128, 1], strides = [1, 1]} : vector<128x50xf32> to vector<128x1xf32>
    %mul3A_220 = vector.broadcast %slice3A_219 : vector<128x1xf32> to vector<128x128xf32>
    %mul3A_221 = arith.mulf %convert_element_type3A_218, %mul3A_220 : vector<128x128xf32>
    %add3A_222 = arith.addf %add3A_182, %mul3A_221 : vector<128x128xf32>
    %get3A_223 = arith.constant 0 : index
    %get3A_224 = arith.constant 21 : index
    %get3A_225 = arith.constant 0 : index
    %get3A_226 = vector.load %arg2[%get3A_223, %get3A_224, %get3A_225] : memref<128x50x128xbf16, #tpu.memory_space<vmem>>, vector<128x1x128xbf16>
    %get3A_227 = vector.shape_cast %get3A_226 : vector<128x1x128xbf16> to vector<128x128xbf16>
    %convert_element_type3A_228 = arith.extf %get3A_227 : vector<128x128xbf16> to vector<128x128xf32>
    %slice3A_229 = vector.extract_strided_slice %convert_element_type3A_7 {offsets = [0, 21], sizes = [128, 1], strides = [1, 1]} : vector<128x50xf32> to vector<128x1xf32>
    %mul3A_230 = vector.broadcast %slice3A_229 : vector<128x1xf32> to vector<128x128xf32>
    %mul3A_231 = arith.mulf %convert_element_type3A_228, %mul3A_230 : vector<128x128xf32>
    %add3A_232 = arith.addf %add3A_192, %mul3A_231 : vector<128x128xf32>
    %get3A_233 = arith.constant 0 : index
    %get3A_234 = arith.constant 22 : index
    %get3A_235 = arith.constant 0 : index
    %get3A_236 = vector.load %arg2[%get3A_233, %get3A_234, %get3A_235] : memref<128x50x128xbf16, #tpu.memory_space<vmem>>, vector<128x1x128xbf16>
    %get3A_237 = vector.shape_cast %get3A_236 : vector<128x1x128xbf16> to vector<128x128xbf16>
    %convert_element_type3A_238 = arith.extf %get3A_237 : vector<128x128xbf16> to vector<128x128xf32>
    %slice3A_239 = vector.extract_strided_slice %convert_element_type3A_7 {offsets = [0, 22], sizes = [128, 1], strides = [1, 1]} : vector<128x50xf32> to vector<128x1xf32>
    %mul3A_240 = vector.broadcast %slice3A_239 : vector<128x1xf32> to vector<128x128xf32>
    %mul3A_241 = arith.mulf %convert_element_type3A_238, %mul3A_240 : vector<128x128xf32>
    %add3A_242 = arith.addf %add3A_202, %mul3A_241 : vector<128x128xf32>
    %get3A_243 = arith.constant 0 : index
    %get3A_244 = arith.constant 23 : index
    %get3A_245 = arith.constant 0 : index
    %get3A_246 = vector.load %arg2[%get3A_243, %get3A_244, %get3A_245] : memref<128x50x128xbf16, #tpu.memory_space<vmem>>, vector<128x1x128xbf16>
    %get3A_247 = vector.shape_cast %get3A_246 : vector<128x1x128xbf16> to vector<128x128xbf16>
    %convert_element_type3A_248 = arith.extf %get3A_247 : vector<128x128xbf16> to vector<128x128xf32>
    %slice3A_249 = vector.extract_strided_slice %convert_element_type3A_7 {offsets = [0, 23], sizes = [128, 1], strides = [1, 1]} : vector<128x50xf32> to vector<128x1xf32>
    %mul3A_250 = vector.broadcast %slice3A_249 : vector<128x1xf32> to vector<128x128xf32>
    %mul3A_251 = arith.mulf %convert_element_type3A_248, %mul3A_250 : vector<128x128xf32>
    %add3A_252 = arith.addf %add3A_212, %mul3A_251 : vector<128x128xf32>
    %get3A_253 = arith.constant 0 : index
    %get3A_254 = arith.constant 24 : index
    %get3A_255 = arith.constant 0 : index
    %get3A_256 = vector.load %arg2[%get3A_253, %get3A_254, %get3A_255] : memref<128x50x128xbf16, #tpu.memory_space<vmem>>, vector<128x1x128xbf16>
    %get3A_257 = vector.shape_cast %get3A_256 : vector<128x1x128xbf16> to vector<128x128xbf16>
    %convert_element_type3A_258 = arith.extf %get3A_257 : vector<128x128xbf16> to vector<128x128xf32>
    %slice3A_259 = vector.extract_strided_slice %convert_element_type3A_7 {offsets = [0, 24], sizes = [128, 1], strides = [1, 1]} : vector<128x50xf32> to vector<128x1xf32>
    %mul3A_260 = vector.broadcast %slice3A_259 : vector<128x1xf32> to vector<128x128xf32>
    %mul3A_261 = arith.mulf %convert_element_type3A_258, %mul3A_260 : vector<128x128xf32>
    %add3A_262 = arith.addf %add3A_222, %mul3A_261 : vector<128x128xf32>
    %get3A_263 = arith.constant 0 : index
    %get3A_264 = arith.constant 25 : index
    %get3A_265 = arith.constant 0 : index
    %get3A_266 = vector.load %arg2[%get3A_263, %get3A_264, %get3A_265] : memref<128x50x128xbf16, #tpu.memory_space<vmem>>, vector<128x1x128xbf16>
    %get3A_267 = vector.shape_cast %get3A_266 : vector<128x1x128xbf16> to vector<128x128xbf16>
    %convert_element_type3A_268 = arith.extf %get3A_267 : vector<128x128xbf16> to vector<128x128xf32>
    %slice3A_269 = vector.extract_strided_slice %convert_element_type3A_7 {offsets = [0, 25], sizes = [128, 1], strides = [1, 1]} : vector<128x50xf32> to vector<128x1xf32>
    %mul3A_270 = vector.broadcast %slice3A_269 : vector<128x1xf32> to vector<128x128xf32>
    %mul3A_271 = arith.mulf %convert_element_type3A_268, %mul3A_270 : vector<128x128xf32>
    %add3A_272 = arith.addf %add3A_232, %mul3A_271 : vector<128x128xf32>
    %get3A_273 = arith.constant 0 : index
    %get3A_274 = arith.constant 26 : index
    %get3A_275 = arith.constant 0 : index
    %get3A_276 = vector.load %arg2[%get3A_273, %get3A_274, %get3A_275] : memref<128x50x128xbf16, #tpu.memory_space<vmem>>, vector<128x1x128xbf16>
    %get3A_277 = vector.shape_cast %get3A_276 : vector<128x1x128xbf16> to vector<128x128xbf16>
    %convert_element_type3A_278 = arith.extf %get3A_277 : vector<128x128xbf16> to vector<128x128xf32>
    %slice3A_279 = vector.extract_strided_slice %convert_element_type3A_7 {offsets = [0, 26], sizes = [128, 1], strides = [1, 1]} : vector<128x50xf32> to vector<128x1xf32>
    %mul3A_280 = vector.broadcast %slice3A_279 : vector<128x1xf32> to vector<128x128xf32>
    %mul3A_281 = arith.mulf %convert_element_type3A_278, %mul3A_280 : vector<128x128xf32>
    %add3A_282 = arith.addf %add3A_242, %mul3A_281 : vector<128x128xf32>
    %get3A_283 = arith.constant 0 : index
    %get3A_284 = arith.constant 27 : index
    %get3A_285 = arith.constant 0 : index
    %get3A_286 = vector.load %arg2[%get3A_283, %get3A_284, %get3A_285] : memref<128x50x128xbf16, #tpu.memory_space<vmem>>, vector<128x1x128xbf16>
    %get3A_287 = vector.shape_cast %get3A_286 : vector<128x1x128xbf16> to vector<128x128xbf16>
    %convert_element_type3A_288 = arith.extf %get3A_287 : vector<128x128xbf16> to vector<128x128xf32>
    %slice3A_289 = vector.extract_strided_slice %convert_element_type3A_7 {offsets = [0, 27], sizes = [128, 1], strides = [1, 1]} : vector<128x50xf32> to vector<128x1xf32>
    %mul3A_290 = vector.broadcast %slice3A_289 : vector<128x1xf32> to vector<128x128xf32>
    %mul3A_291 = arith.mulf %convert_element_type3A_288, %mul3A_290 : vector<128x128xf32>
    %add3A_292 = arith.addf %add3A_252, %mul3A_291 : vector<128x128xf32>
    %get3A_293 = arith.constant 0 : index
    %get3A_294 = arith.constant 28 : index
    %get3A_295 = arith.constant 0 : index
    %get3A_296 = vector.load %arg2[%get3A_293, %get3A_294, %get3A_295] : memref<128x50x128xbf16, #tpu.memory_space<vmem>>, vector<128x1x128xbf16>
    %get3A_297 = vector.shape_cast %get3A_296 : vector<128x1x128xbf16> to vector<128x128xbf16>
    %convert_element_type3A_298 = arith.extf %get3A_297 : vector<128x128xbf16> to vector<128x128xf32>
    %slice3A_299 = vector.extract_strided_slice %convert_element_type3A_7 {offsets = [0, 28], sizes = [128, 1], strides = [1, 1]} : vector<128x50xf32> to vector<128x1xf32>
    %mul3A_300 = vector.broadcast %slice3A_299 : vector<128x1xf32> to vector<128x128xf32>
    %mul3A_301 = arith.mulf %convert_element_type3A_298, %mul3A_300 : vector<128x128xf32>
    %add3A_302 = arith.addf %add3A_262, %mul3A_301 : vector<128x128xf32>
    %get3A_303 = arith.constant 0 : index
    %get3A_304 = arith.constant 29 : index
    %get3A_305 = arith.constant 0 : index
    %get3A_306 = vector.load %arg2[%get3A_303, %get3A_304, %get3A_305] : memref<128x50x128xbf16, #tpu.memory_space<vmem>>, vector<128x1x128xbf16>
    %get3A_307 = vector.shape_cast %get3A_306 : vector<128x1x128xbf16> to vector<128x128xbf16>
    %convert_element_type3A_308 = arith.extf %get3A_307 : vector<128x128xbf16> to vector<128x128xf32>
    %slice3A_309 = vector.extract_strided_slice %convert_element_type3A_7 {offsets = [0, 29], sizes = [128, 1], strides = [1, 1]} : vector<128x50xf32> to vector<128x1xf32>
    %mul3A_310 = vector.broadcast %slice3A_309 : vector<128x1xf32> to vector<128x128xf32>
    %mul3A_311 = arith.mulf %convert_element_type3A_308, %mul3A_310 : vector<128x128xf32>
    %add3A_312 = arith.addf %add3A_272, %mul3A_311 : vector<128x128xf32>
    %get3A_313 = arith.constant 0 : index
    %get3A_314 = arith.constant 30 : index
    %get3A_315 = arith.constant 0 : index
    %get3A_316 = vector.load %arg2[%get3A_313, %get3A_314, %get3A_315] : memref<128x50x128xbf16, #tpu.memory_space<vmem>>, vector<128x1x128xbf16>
    %get3A_317 = vector.shape_cast %get3A_316 : vector<128x1x128xbf16> to vector<128x128xbf16>
    %convert_element_type3A_318 = arith.extf %get3A_317 : vector<128x128xbf16> to vector<128x128xf32>
    %slice3A_319 = vector.extract_strided_slice %convert_element_type3A_7 {offsets = [0, 30], sizes = [128, 1], strides = [1, 1]} : vector<128x50xf32> to vector<128x1xf32>
    %mul3A_320 = vector.broadcast %slice3A_319 : vector<128x1xf32> to vector<128x128xf32>
    %mul3A_321 = arith.mulf %convert_element_type3A_318, %mul3A_320 : vector<128x128xf32>
    %add3A_322 = arith.addf %add3A_282, %mul3A_321 : vector<128x128xf32>
    %get3A_323 = arith.constant 0 : index
    %get3A_324 = arith.constant 31 : index
    %get3A_325 = arith.constant 0 : index
    %get3A_326 = vector.load %arg2[%get3A_323, %get3A_324, %get3A_325] : memref<128x50x128xbf16, #tpu.memory_space<vmem>>, vector<128x1x128xbf16>
    %get3A_327 = vector.shape_cast %get3A_326 : vector<128x1x128xbf16> to vector<128x128xbf16>
    %convert_element_type3A_328 = arith.extf %get3A_327 : vector<128x128xbf16> to vector<128x128xf32>
    %slice3A_329 = vector.extract_strided_slice %convert_element_type3A_7 {offsets = [0, 31], sizes = [128, 1], strides = [1, 1]} : vector<128x50xf32> to vector<128x1xf32>
    %mul3A_330 = vector.broadcast %slice3A_329 : vector<128x1xf32> to vector<128x128xf32>
    %mul3A_331 = arith.mulf %convert_element_type3A_328, %mul3A_330 : vector<128x128xf32>
    %add3A_332 = arith.addf %add3A_292, %mul3A_331 : vector<128x128xf32>
    %get3A_333 = arith.constant 0 : index
    %get3A_334 = arith.constant 32 : index
    %get3A_335 = arith.constant 0 : index
    %get3A_336 = vector.load %arg2[%get3A_333, %get3A_334, %get3A_335] : memref<128x50x128xbf16, #tpu.memory_space<vmem>>, vector<128x1x128xbf16>
    %get3A_337 = vector.shape_cast %get3A_336 : vector<128x1x128xbf16> to vector<128x128xbf16>
    %convert_element_type3A_338 = arith.extf %get3A_337 : vector<128x128xbf16> to vector<128x128xf32>
    %slice3A_339 = vector.extract_strided_slice %convert_element_type3A_7 {offsets = [0, 32], sizes = [128, 1], strides = [1, 1]} : vector<128x50xf32> to vector<128x1xf32>
    %mul3A_340 = vector.broadcast %slice3A_339 : vector<128x1xf32> to vector<128x128xf32>
    %mul3A_341 = arith.mulf %convert_element_type3A_338, %mul3A_340 : vector<128x128xf32>
    %add3A_342 = arith.addf %add3A_302, %mul3A_341 : vector<128x128xf32>
    %get3A_343 = arith.constant 0 : index
    %get3A_344 = arith.constant 33 : index
    %get3A_345 = arith.constant 0 : index
    %get3A_346 = vector.load %arg2[%get3A_343, %get3A_344, %get3A_345] : memref<128x50x128xbf16, #tpu.memory_space<vmem>>, vector<128x1x128xbf16>
    %get3A_347 = vector.shape_cast %get3A_346 : vector<128x1x128xbf16> to vector<128x128xbf16>
    %convert_element_type3A_348 = arith.extf %get3A_347 : vector<128x128xbf16> to vector<128x128xf32>
    %slice3A_349 = vector.extract_strided_slice %convert_element_type3A_7 {offsets = [0, 33], sizes = [128, 1], strides = [1, 1]} : vector<128x50xf32> to vector<128x1xf32>
    %mul3A_350 = vector.broadcast %slice3A_349 : vector<128x1xf32> to vector<128x128xf32>
    %mul3A_351 = arith.mulf %convert_element_type3A_348, %mul3A_350 : vector<128x128xf32>
    %add3A_352 = arith.addf %add3A_312, %mul3A_351 : vector<128x128xf32>
    %get3A_353 = arith.constant 0 : index
    %get3A_354 = arith.constant 34 : index
    %get3A_355 = arith.constant 0 : index
    %get3A_356 = vector.load %arg2[%get3A_353, %get3A_354, %get3A_355] : memref<128x50x128xbf16, #tpu.memory_space<vmem>>, vector<128x1x128xbf16>
    %get3A_357 = vector.shape_cast %get3A_356 : vector<128x1x128xbf16> to vector<128x128xbf16>
    %convert_element_type3A_358 = arith.extf %get3A_357 : vector<128x128xbf16> to vector<128x128xf32>
    %slice3A_359 = vector.extract_strided_slice %convert_element_type3A_7 {offsets = [0, 34], sizes = [128, 1], strides = [1, 1]} : vector<128x50xf32> to vector<128x1xf32>
    %mul3A_360 = vector.broadcast %slice3A_359 : vector<128x1xf32> to vector<128x128xf32>
    %mul3A_361 = arith.mulf %convert_element_type3A_358, %mul3A_360 : vector<128x128xf32>
    %add3A_362 = arith.addf %add3A_322, %mul3A_361 : vector<128x128xf32>
    %get3A_363 = arith.constant 0 : index
    %get3A_364 = arith.constant 35 : index
    %get3A_365 = arith.constant 0 : index
    %get3A_366 = vector.load %arg2[%get3A_363, %get3A_364, %get3A_365] : memref<128x50x128xbf16, #tpu.memory_space<vmem>>, vector<128x1x128xbf16>
    %get3A_367 = vector.shape_cast %get3A_366 : vector<128x1x128xbf16> to vector<128x128xbf16>
    %convert_element_type3A_368 = arith.extf %get3A_367 : vector<128x128xbf16> to vector<128x128xf32>
    %slice3A_369 = vector.extract_strided_slice %convert_element_type3A_7 {offsets = [0, 35], sizes = [128, 1], strides = [1, 1]} : vector<128x50xf32> to vector<128x1xf32>
    %mul3A_370 = vector.broadcast %slice3A_369 : vector<128x1xf32> to vector<128x128xf32>
    %mul3A_371 = arith.mulf %convert_element_type3A_368, %mul3A_370 : vector<128x128xf32>
    %add3A_372 = arith.addf %add3A_332, %mul3A_371 : vector<128x128xf32>
    %get3A_373 = arith.constant 0 : index
    %get3A_374 = arith.constant 36 : index
    %get3A_375 = arith.constant 0 : index
    %get3A_376 = vector.load %arg2[%get3A_373, %get3A_374, %get3A_375] : memref<128x50x128xbf16, #tpu.memory_space<vmem>>, vector<128x1x128xbf16>
    %get3A_377 = vector.shape_cast %get3A_376 : vector<128x1x128xbf16> to vector<128x128xbf16>
    %convert_element_type3A_378 = arith.extf %get3A_377 : vector<128x128xbf16> to vector<128x128xf32>
    %slice3A_379 = vector.extract_strided_slice %convert_element_type3A_7 {offsets = [0, 36], sizes = [128, 1], strides = [1, 1]} : vector<128x50xf32> to vector<128x1xf32>
    %mul3A_380 = vector.broadcast %slice3A_379 : vector<128x1xf32> to vector<128x128xf32>
    %mul3A_381 = arith.mulf %convert_element_type3A_378, %mul3A_380 : vector<128x128xf32>
    %add3A_382 = arith.addf %add3A_342, %mul3A_381 : vector<128x128xf32>
    %get3A_383 = arith.constant 0 : index
    %get3A_384 = arith.constant 37 : index
    %get3A_385 = arith.constant 0 : index
    %get3A_386 = vector.load %arg2[%get3A_383, %get3A_384, %get3A_385] : memref<128x50x128xbf16, #tpu.memory_space<vmem>>, vector<128x1x128xbf16>
    %get3A_387 = vector.shape_cast %get3A_386 : vector<128x1x128xbf16> to vector<128x128xbf16>
    %convert_element_type3A_388 = arith.extf %get3A_387 : vector<128x128xbf16> to vector<128x128xf32>
    %slice3A_389 = vector.extract_strided_slice %convert_element_type3A_7 {offsets = [0, 37], sizes = [128, 1], strides = [1, 1]} : vector<128x50xf32> to vector<128x1xf32>
    %mul3A_390 = vector.broadcast %slice3A_389 : vector<128x1xf32> to vector<128x128xf32>
    %mul3A_391 = arith.mulf %convert_element_type3A_388, %mul3A_390 : vector<128x128xf32>
    %add3A_392 = arith.addf %add3A_352, %mul3A_391 : vector<128x128xf32>
    %get3A_393 = arith.constant 0 : index
    %get3A_394 = arith.constant 38 : index
    %get3A_395 = arith.constant 0 : index
    %get3A_396 = vector.load %arg2[%get3A_393, %get3A_394, %get3A_395] : memref<128x50x128xbf16, #tpu.memory_space<vmem>>, vector<128x1x128xbf16>
    %get3A_397 = vector.shape_cast %get3A_396 : vector<128x1x128xbf16> to vector<128x128xbf16>
    %convert_element_type3A_398 = arith.extf %get3A_397 : vector<128x128xbf16> to vector<128x128xf32>
    %slice3A_399 = vector.extract_strided_slice %convert_element_type3A_7 {offsets = [0, 38], sizes = [128, 1], strides = [1, 1]} : vector<128x50xf32> to vector<128x1xf32>
    %mul3A_400 = vector.broadcast %slice3A_399 : vector<128x1xf32> to vector<128x128xf32>
    %mul3A_401 = arith.mulf %convert_element_type3A_398, %mul3A_400 : vector<128x128xf32>
    %add3A_402 = arith.addf %add3A_362, %mul3A_401 : vector<128x128xf32>
    %get3A_403 = arith.constant 0 : index
    %get3A_404 = arith.constant 39 : index
    %get3A_405 = arith.constant 0 : index
    %get3A_406 = vector.load %arg2[%get3A_403, %get3A_404, %get3A_405] : memref<128x50x128xbf16, #tpu.memory_space<vmem>>, vector<128x1x128xbf16>
    %get3A_407 = vector.shape_cast %get3A_406 : vector<128x1x128xbf16> to vector<128x128xbf16>
    %convert_element_type3A_408 = arith.extf %get3A_407 : vector<128x128xbf16> to vector<128x128xf32>
    %slice3A_409 = vector.extract_strided_slice %convert_element_type3A_7 {offsets = [0, 39], sizes = [128, 1], strides = [1, 1]} : vector<128x50xf32> to vector<128x1xf32>
    %mul3A_410 = vector.broadcast %slice3A_409 : vector<128x1xf32> to vector<128x128xf32>
    %mul3A_411 = arith.mulf %convert_element_type3A_408, %mul3A_410 : vector<128x128xf32>
    %add3A_412 = arith.addf %add3A_372, %mul3A_411 : vector<128x128xf32>
    %get3A_413 = arith.constant 0 : index
    %get3A_414 = arith.constant 40 : index
    %get3A_415 = arith.constant 0 : index
    %get3A_416 = vector.load %arg2[%get3A_413, %get3A_414, %get3A_415] : memref<128x50x128xbf16, #tpu.memory_space<vmem>>, vector<128x1x128xbf16>
    %get3A_417 = vector.shape_cast %get3A_416 : vector<128x1x128xbf16> to vector<128x128xbf16>
    %convert_element_type3A_418 = arith.extf %get3A_417 : vector<128x128xbf16> to vector<128x128xf32>
    %slice3A_419 = vector.extract_strided_slice %convert_element_type3A_7 {offsets = [0, 40], sizes = [128, 1], strides = [1, 1]} : vector<128x50xf32> to vector<128x1xf32>
    %mul3A_420 = vector.broadcast %slice3A_419 : vector<128x1xf32> to vector<128x128xf32>
    %mul3A_421 = arith.mulf %convert_element_type3A_418, %mul3A_420 : vector<128x128xf32>
    %add3A_422 = arith.addf %add3A_382, %mul3A_421 : vector<128x128xf32>
    %get3A_423 = arith.constant 0 : index
    %get3A_424 = arith.constant 41 : index
    %get3A_425 = arith.constant 0 : index
    %get3A_426 = vector.load %arg2[%get3A_423, %get3A_424, %get3A_425] : memref<128x50x128xbf16, #tpu.memory_space<vmem>>, vector<128x1x128xbf16>
    %get3A_427 = vector.shape_cast %get3A_426 : vector<128x1x128xbf16> to vector<128x128xbf16>
    %convert_element_type3A_428 = arith.extf %get3A_427 : vector<128x128xbf16> to vector<128x128xf32>
    %slice3A_429 = vector.extract_strided_slice %convert_element_type3A_7 {offsets = [0, 41], sizes = [128, 1], strides = [1, 1]} : vector<128x50xf32> to vector<128x1xf32>
    %mul3A_430 = vector.broadcast %slice3A_429 : vector<128x1xf32> to vector<128x128xf32>
    %mul3A_431 = arith.mulf %convert_element_type3A_428, %mul3A_430 : vector<128x128xf32>
    %add3A_432 = arith.addf %add3A_392, %mul3A_431 : vector<128x128xf32>
    %get3A_433 = arith.constant 0 : index
    %get3A_434 = arith.constant 42 : index
    %get3A_435 = arith.constant 0 : index
    %get3A_436 = vector.load %arg2[%get3A_433, %get3A_434, %get3A_435] : memref<128x50x128xbf16, #tpu.memory_space<vmem>>, vector<128x1x128xbf16>
    %get3A_437 = vector.shape_cast %get3A_436 : vector<128x1x128xbf16> to vector<128x128xbf16>
    %convert_element_type3A_438 = arith.extf %get3A_437 : vector<128x128xbf16> to vector<128x128xf32>
    %slice3A_439 = vector.extract_strided_slice %convert_element_type3A_7 {offsets = [0, 42], sizes = [128, 1], strides = [1, 1]} : vector<128x50xf32> to vector<128x1xf32>
    %mul3A_440 = vector.broadcast %slice3A_439 : vector<128x1xf32> to vector<128x128xf32>
    %mul3A_441 = arith.mulf %convert_element_type3A_438, %mul3A_440 : vector<128x128xf32>
    %add3A_442 = arith.addf %add3A_402, %mul3A_441 : vector<128x128xf32>
    %get3A_443 = arith.constant 0 : index
    %get3A_444 = arith.constant 43 : index
    %get3A_445 = arith.constant 0 : index
    %get3A_446 = vector.load %arg2[%get3A_443, %get3A_444, %get3A_445] : memref<128x50x128xbf16, #tpu.memory_space<vmem>>, vector<128x1x128xbf16>
    %get3A_447 = vector.shape_cast %get3A_446 : vector<128x1x128xbf16> to vector<128x128xbf16>
    %convert_element_type3A_448 = arith.extf %get3A_447 : vector<128x128xbf16> to vector<128x128xf32>
    %slice3A_449 = vector.extract_strided_slice %convert_element_type3A_7 {offsets = [0, 43], sizes = [128, 1], strides = [1, 1]} : vector<128x50xf32> to vector<128x1xf32>
    %mul3A_450 = vector.broadcast %slice3A_449 : vector<128x1xf32> to vector<128x128xf32>
    %mul3A_451 = arith.mulf %convert_element_type3A_448, %mul3A_450 : vector<128x128xf32>
    %add3A_452 = arith.addf %add3A_412, %mul3A_451 : vector<128x128xf32>
    %get3A_453 = arith.constant 0 : index
    %get3A_454 = arith.constant 44 : index
    %get3A_455 = arith.constant 0 : index
    %get3A_456 = vector.load %arg2[%get3A_453, %get3A_454, %get3A_455] : memref<128x50x128xbf16, #tpu.memory_space<vmem>>, vector<128x1x128xbf16>
    %get3A_457 = vector.shape_cast %get3A_456 : vector<128x1x128xbf16> to vector<128x128xbf16>
    %convert_element_type3A_458 = arith.extf %get3A_457 : vector<128x128xbf16> to vector<128x128xf32>
    %slice3A_459 = vector.extract_strided_slice %convert_element_type3A_7 {offsets = [0, 44], sizes = [128, 1], strides = [1, 1]} : vector<128x50xf32> to vector<128x1xf32>
    %mul3A_460 = vector.broadcast %slice3A_459 : vector<128x1xf32> to vector<128x128xf32>
    %mul3A_461 = arith.mulf %convert_element_type3A_458, %mul3A_460 : vector<128x128xf32>
    %add3A_462 = arith.addf %add3A_422, %mul3A_461 : vector<128x128xf32>
    %get3A_463 = arith.constant 0 : index
    %get3A_464 = arith.constant 45 : index
    %get3A_465 = arith.constant 0 : index
    %get3A_466 = vector.load %arg2[%get3A_463, %get3A_464, %get3A_465] : memref<128x50x128xbf16, #tpu.memory_space<vmem>>, vector<128x1x128xbf16>
    %get3A_467 = vector.shape_cast %get3A_466 : vector<128x1x128xbf16> to vector<128x128xbf16>
    %convert_element_type3A_468 = arith.extf %get3A_467 : vector<128x128xbf16> to vector<128x128xf32>
    %slice3A_469 = vector.extract_strided_slice %convert_element_type3A_7 {offsets = [0, 45], sizes = [128, 1], strides = [1, 1]} : vector<128x50xf32> to vector<128x1xf32>
    %mul3A_470 = vector.broadcast %slice3A_469 : vector<128x1xf32> to vector<128x128xf32>
    %mul3A_471 = arith.mulf %convert_element_type3A_468, %mul3A_470 : vector<128x128xf32>
    %add3A_472 = arith.addf %add3A_432, %mul3A_471 : vector<128x128xf32>
    %get3A_473 = arith.constant 0 : index
    %get3A_474 = arith.constant 46 : index
    %get3A_475 = arith.constant 0 : index
    %get3A_476 = vector.load %arg2[%get3A_473, %get3A_474, %get3A_475] : memref<128x50x128xbf16, #tpu.memory_space<vmem>>, vector<128x1x128xbf16>
    %get3A_477 = vector.shape_cast %get3A_476 : vector<128x1x128xbf16> to vector<128x128xbf16>
    %convert_element_type3A_478 = arith.extf %get3A_477 : vector<128x128xbf16> to vector<128x128xf32>
    %slice3A_479 = vector.extract_strided_slice %convert_element_type3A_7 {offsets = [0, 46], sizes = [128, 1], strides = [1, 1]} : vector<128x50xf32> to vector<128x1xf32>
    %mul3A_480 = vector.broadcast %slice3A_479 : vector<128x1xf32> to vector<128x128xf32>
    %mul3A_481 = arith.mulf %convert_element_type3A_478, %mul3A_480 : vector<128x128xf32>
    %add3A_482 = arith.addf %add3A_442, %mul3A_481 : vector<128x128xf32>
    %get3A_483 = arith.constant 0 : index
    %get3A_484 = arith.constant 47 : index
    %get3A_485 = arith.constant 0 : index
    %get3A_486 = vector.load %arg2[%get3A_483, %get3A_484, %get3A_485] : memref<128x50x128xbf16, #tpu.memory_space<vmem>>, vector<128x1x128xbf16>
    %get3A_487 = vector.shape_cast %get3A_486 : vector<128x1x128xbf16> to vector<128x128xbf16>
    %convert_element_type3A_488 = arith.extf %get3A_487 : vector<128x128xbf16> to vector<128x128xf32>
    %slice3A_489 = vector.extract_strided_slice %convert_element_type3A_7 {offsets = [0, 47], sizes = [128, 1], strides = [1, 1]} : vector<128x50xf32> to vector<128x1xf32>
    %mul3A_490 = vector.broadcast %slice3A_489 : vector<128x1xf32> to vector<128x128xf32>
    %mul3A_491 = arith.mulf %convert_element_type3A_488, %mul3A_490 : vector<128x128xf32>
    %add3A_492 = arith.addf %add3A_452, %mul3A_491 : vector<128x128xf32>
    %get3A_493 = arith.constant 0 : index
    %get3A_494 = arith.constant 48 : index
    %get3A_495 = arith.constant 0 : index
    %get3A_496 = vector.load %arg2[%get3A_493, %get3A_494, %get3A_495] : memref<128x50x128xbf16, #tpu.memory_space<vmem>>, vector<128x1x128xbf16>
    %get3A_497 = vector.shape_cast %get3A_496 : vector<128x1x128xbf16> to vector<128x128xbf16>
    %convert_element_type3A_498 = arith.extf %get3A_497 : vector<128x128xbf16> to vector<128x128xf32>
    %slice3A_499 = vector.extract_strided_slice %convert_element_type3A_7 {offsets = [0, 48], sizes = [128, 1], strides = [1, 1]} : vector<128x50xf32> to vector<128x1xf32>
    %mul3A_500 = vector.broadcast %slice3A_499 : vector<128x1xf32> to vector<128x128xf32>
    %mul3A_501 = arith.mulf %convert_element_type3A_498, %mul3A_500 : vector<128x128xf32>
    %add3A_502 = arith.addf %add3A_462, %mul3A_501 : vector<128x128xf32>
    %get3A_503 = arith.constant 0 : index
    %get3A_504 = arith.constant 49 : index
    %get3A_505 = arith.constant 0 : index
    %get3A_506 = vector.load %arg2[%get3A_503, %get3A_504, %get3A_505] : memref<128x50x128xbf16, #tpu.memory_space<vmem>>, vector<128x1x128xbf16>
    %get3A_507 = vector.shape_cast %get3A_506 : vector<128x1x128xbf16> to vector<128x128xbf16>
    %convert_element_type3A_508 = arith.extf %get3A_507 : vector<128x128xbf16> to vector<128x128xf32>
    %slice3A_509 = vector.extract_strided_slice %convert_element_type3A_7 {offsets = [0, 49], sizes = [128, 1], strides = [1, 1]} : vector<128x50xf32> to vector<128x1xf32>
    %mul3A_510 = vector.broadcast %slice3A_509 : vector<128x1xf32> to vector<128x128xf32>
    %mul3A_511 = arith.mulf %convert_element_type3A_508, %mul3A_510 : vector<128x128xf32>
    %add3A_512 = arith.addf %add3A_472, %mul3A_511 : vector<128x128xf32>
    %add3A_513 = arith.addf %add3A_502, %add3A_512 : vector<128x128xf32>
    %add3A_514 = arith.addf %add3A_482, %add3A_492 : vector<128x128xf32>
    %add3A_515 = arith.addf %add3A_513, %add3A_514 : vector<128x128xf32>
    %reduce_sum3A_516 = arith.constant dense<0.000000e+00> : vector<128xf32>
    %reduce_sum3A_517 = vector.multi_reduction <add>, %add3A_515, %reduce_sum3A_516 [1] : vector<128x128xf32> to vector<128xf32>
    %broadcast_in_dim3A_518 = vector.shape_cast %reduce_sum3A_517 : vector<128xf32> to vector<128x1xf32>
    %div3A_519 = arith.constant 1.280000e+02 : f32
    %div3A_520 = vector.broadcast %div3A_519 : f32 to vector<128x1xf32>
    %div3A_521 = arith.divf %broadcast_in_dim3A_518, %div3A_520 : vector<128x1xf32>
    %sub3A_522 = vector.broadcast %div3A_521 : vector<128x1xf32> to vector<128x128xf32>
    %sub3A_523 = arith.subf %add3A_515, %sub3A_522 : vector<128x128xf32>
    %mul3A_524 = arith.mulf %sub3A_523, %sub3A_523 : vector<128x128xf32>
    %reduce_sum3A_525 = arith.constant dense<0.000000e+00> : vector<128xf32>
    %reduce_sum3A_526 = vector.multi_reduction <add>, %mul3A_524, %reduce_sum3A_525 [1] : vector<128x128xf32> to vector<128xf32>
    %broadcast_in_dim3A_527 = vector.shape_cast %reduce_sum3A_526 : vector<128xf32> to vector<128x1xf32>
    %div3A_528 = arith.constant 1.280000e+02 : f32
    %div3A_529 = vector.broadcast %div3A_528 : f32 to vector<128x1xf32>
    %div3A_530 = arith.divf %broadcast_in_dim3A_527, %div3A_529 : vector<128x1xf32>
    %add3A_531 = arith.constant 9.99999974E-6 : f32
    %add3A_532 = vector.broadcast %add3A_531 : f32 to vector<128x1xf32>
    %add3A_533 = arith.addf %div3A_530, %add3A_532 : vector<128x1xf32>
    %sqrt3A = math.sqrt %add3A_533 : vector<128x1xf32>
    %div3A_534 = vector.broadcast %sqrt3A : vector<128x1xf32> to vector<128x128xf32>
    %div3A_535 = arith.divf %sub3A_523, %div3A_534 : vector<128x128xf32>
    %get3A_536 = arith.constant 0 : index
    %get3A_537 = arith.constant 0 : index
    %get3A_538 = vector.load %arg3[%get3A_536, %get3A_537] : memref<1x128xf32, #tpu.memory_space<vmem>>, vector<1x128xf32>
    %mul3A_539 = vector.broadcast %get3A_538 : vector<1x128xf32> to vector<128x128xf32>
    %mul3A_540 = arith.mulf %div3A_535, %mul3A_539 : vector<128x128xf32>
    %get3A_541 = arith.constant 0 : index
    %get3A_542 = arith.constant 0 : index
    %get3A_543 = vector.load %arg4[%get3A_541, %get3A_542] : memref<1x128xf32, #tpu.memory_space<vmem>>, vector<1x128xf32>
    %add3A_544 = vector.broadcast %get3A_543 : vector<1x128xf32> to vector<128x128xf32>
    %add3A_545 = arith.addf %mul3A_540, %add3A_544 : vector<128x128xf32>
    %get3A_546 = arith.constant 0 : index
    %get3A_547 = arith.constant 0 : index
    %get3A_548 = vector.load %arg5[%get3A_546, %get3A_547] : memref<128x8xf32, #tpu.memory_space<vmem>>, vector<128x8xf32>
    %dot_general3A = arith.constant dense<0.000000e+00> : vector<128x8xf32>
    %dot_general3A_549 = tpu.matmul %add3A_545, %get3A_548, %dot_general3A {dimension_numbers = #tpu.dot_dimension_numbers<[1], [0], [0], [1], [0, 0, 1, 1], [], []>, transpose_lhs_hint = false} : vector<128x128xf32>, vector<128x8xf32>, vector<128x8xf32> -> vector<128x8xf32>
    %get3A_550 = arith.constant 0 : index
    %get3A_551 = arith.constant 0 : index
    %get3A_552 = vector.load %arg6[%get3A_550, %get3A_551] : memref<1x8xf32, #tpu.memory_space<vmem>>, vector<1x8xf32>
    %add3A_553 = vector.broadcast %get3A_552 : vector<1x8xf32> to vector<128x8xf32>
    %add3A_554 = arith.addf %dot_general3A_549, %add3A_553 : vector<128x8xf32>
    %get3A_555 = arith.constant 0 : index
    %get3A_556 = arith.constant 0 : index
    %get3A_557 = vector.load %arg7[%get3A_555, %get3A_556] : memref<1x8xf32, #tpu.memory_space<vmem>>, vector<1x8xf32>
    %add3A_558 = vector.broadcast %get3A_557 : vector<1x8xf32> to vector<128x8xf32>
    %add3A_559 = arith.addf %add3A_554, %add3A_558 : vector<128x8xf32>
    %iota3A = tpu.iota {dimensions = array<i32: 1>} : vector<128x8xi32>
    %reduce_max3A_560 = arith.constant dense<0xFF800000> : vector<128xf32>
    %reduce_max3A_561 = vector.multi_reduction <maximumf>, %add3A_559, %reduce_max3A_560 [1] : vector<128x8xf32> to vector<128xf32>
    %broadcast_in_dim3A_562 = vector.shape_cast %reduce_max3A_561 : vector<128xf32> to vector<128x1xf32>
    %eq3A = vector.broadcast %broadcast_in_dim3A_562 : vector<128x1xf32> to vector<128x8xf32>
    %eq3A_563 = arith.cmpf oeq, %add3A_559, %eq3A : vector<128x8xf32>
    %jit3A = arith.constant 8 : i32
    %broadcast_in_dim3A_564 = vector.broadcast %jit3A : i32 to vector<128x8xi32>
    %select_n3A = arith.select %eq3A_563, %iota3A, %broadcast_in_dim3A_564 : vector<128x8xi1>, vector<128x8xi32>
    %reduce_min3A = arith.constant dense<2147483647> : vector<128xi32>
    %reduce_min3A_565 = vector.multi_reduction <minsi>, %select_n3A, %reduce_min3A [1] : vector<128x8xi32> to vector<128xi32>
    %broadcast_in_dim3A_566 = vector.shape_cast %reduce_min3A_565 : vector<128xi32> to vector<128x1xi32>
    %eq3A_567 = vector.broadcast %broadcast_in_dim3A_566 : vector<128x1xi32> to vector<128x8xi32>
    %eq3A_568 = arith.cmpi eq, %iota3A, %eq3A_567 : vector<128x8xi32>
    %jit3A_569 = arith.constant 0xFF800000 : f32
    %broadcast_in_dim3A_570 = vector.broadcast %jit3A_569 : f32 to vector<128x8xf32>
    %select_n3A_571 = arith.select %eq3A_568, %broadcast_in_dim3A_570, %add3A_559 : vector<128x8xi1>, vector<128x8xf32>
    %reduce_max3A_572 = arith.constant dense<0xFF800000> : vector<128xf32>
    %reduce_max3A_573 = vector.multi_reduction <maximumf>, %select_n3A_571, %reduce_max3A_572 [1] : vector<128x8xf32> to vector<128xf32>
    %broadcast_in_dim3A_574 = vector.shape_cast %reduce_max3A_573 : vector<128xf32> to vector<128x1xf32>
    %eq3A_575 = vector.broadcast %broadcast_in_dim3A_574 : vector<128x1xf32> to vector<128x8xf32>
    %eq3A_576 = arith.cmpf oeq, %select_n3A_571, %eq3A_575 : vector<128x8xf32>
    %jit3A_577 = arith.constant 8 : i32
    %broadcast_in_dim3A_578 = vector.broadcast %jit3A_577 : i32 to vector<128x8xi32>
    %select_n3A_579 = arith.select %eq3A_576, %iota3A, %broadcast_in_dim3A_578 : vector<128x8xi1>, vector<128x8xi32>
    %reduce_min3A_580 = arith.constant dense<2147483647> : vector<128xi32>
    %reduce_min3A_581 = vector.multi_reduction <minsi>, %select_n3A_579, %reduce_min3A_580 [1] : vector<128x8xi32> to vector<128xi32>
    %broadcast_in_dim3A_582 = vector.shape_cast %reduce_min3A_581 : vector<128xi32> to vector<128x1xi32>
    %eq3A_583 = vector.broadcast %broadcast_in_dim3A_566 : vector<128x1xi32> to vector<128x8xi32>
    %eq3A_584 = arith.cmpi eq, %iota3A, %eq3A_583 : vector<128x8xi32>
    %jit3A_585 = arith.constant 0.000000e+00 : f32
    %broadcast_in_dim3A_586 = vector.broadcast %jit3A_585 : f32 to vector<128x8xf32>
    %select_n3A_587 = arith.select %eq3A_584, %add3A_554, %broadcast_in_dim3A_586 : vector<128x8xi1>, vector<128x8xf32>
    %reduce_sum3A_588 = arith.constant dense<0.000000e+00> : vector<128xf32>
    %reduce_sum3A_589 = vector.multi_reduction <add>, %select_n3A_587, %reduce_sum3A_588 [1] : vector<128x8xf32> to vector<128xf32>
    %broadcast_in_dim3A_590 = vector.shape_cast %reduce_sum3A_589 : vector<128xf32> to vector<128x1xf32>
    %eq3A_591 = vector.broadcast %broadcast_in_dim3A_582 : vector<128x1xi32> to vector<128x8xi32>
    %eq3A_592 = arith.cmpi eq, %iota3A, %eq3A_591 : vector<128x8xi32>
    %jit3A_593 = arith.constant 0.000000e+00 : f32
    %broadcast_in_dim3A_594 = vector.broadcast %jit3A_593 : f32 to vector<128x8xf32>
    %select_n3A_595 = arith.select %eq3A_592, %add3A_554, %broadcast_in_dim3A_594 : vector<128x8xi1>, vector<128x8xf32>
    %reduce_sum3A_596 = arith.constant dense<0.000000e+00> : vector<128xf32>
    %reduce_sum3A_597 = vector.multi_reduction <add>, %select_n3A_595, %reduce_sum3A_596 [1] : vector<128x8xf32> to vector<128xf32>
    %broadcast_in_dim3A_598 = vector.shape_cast %reduce_sum3A_597 : vector<128xf32> to vector<128x1xf32>
    %max3A = arith.maximumf %broadcast_in_dim3A_590, %broadcast_in_dim3A_598 : vector<128x1xf32>
    %sub3A_599 = arith.subf %broadcast_in_dim3A_590, %max3A : vector<128x1xf32>
    %exp3A_600 = math.exp %sub3A_599 : vector<128x1xf32>
    %sub3A_601 = arith.subf %broadcast_in_dim3A_598, %max3A : vector<128x1xf32>
    %exp3A_602 = math.exp %sub3A_601 : vector<128x1xf32>
    %add3A_603 = arith.addf %exp3A_600, %exp3A_602 : vector<128x1xf32>
    %div3A_604 = arith.divf %exp3A_600, %add3A_603 : vector<128x1xf32>
    %add3A_605 = arith.addf %exp3A_600, %exp3A_602 : vector<128x1xf32>
    %div3A_606 = arith.divf %exp3A_602, %add3A_605 : vector<128x1xf32>
    %eq3A_607 = vector.broadcast %broadcast_in_dim3A_566 : vector<128x1xi32> to vector<128x8xi32>
    %eq3A_608 = arith.cmpi eq, %iota3A, %eq3A_607 : vector<128x8xi32>
    %convert_element_type3A_609 = arith.extui %eq3A_608 : vector<128x8xi1> to vector<128x8xi32>
    %convert_element_type3A_610 = arith.sitofp %convert_element_type3A_609 : vector<128x8xi32> to vector<128x8xf32>
    %mul3A_611 = vector.broadcast %div3A_604 : vector<128x1xf32> to vector<128x8xf32>
    %mul3A_612 = arith.mulf %mul3A_611, %convert_element_type3A_610 : vector<128x8xf32>
    %eq3A_613 = vector.broadcast %broadcast_in_dim3A_582 : vector<128x1xi32> to vector<128x8xi32>
    %eq3A_614 = arith.cmpi eq, %iota3A, %eq3A_613 : vector<128x8xi32>
    %convert_element_type3A_615 = arith.extui %eq3A_614 : vector<128x8xi1> to vector<128x8xi32>
    %convert_element_type3A_616 = arith.sitofp %convert_element_type3A_615 : vector<128x8xi32> to vector<128x8xf32>
    %mul3A_617 = vector.broadcast %div3A_606 : vector<128x1xf32> to vector<128x8xf32>
    %mul3A_618 = arith.mulf %mul3A_617, %convert_element_type3A_616 : vector<128x8xf32>
    %add3A_619 = arith.addf %mul3A_612, %mul3A_618 : vector<128x8xf32>
    %swap3A = arith.constant 0 : index
    %swap3A_620 = arith.constant 0 : index
    %swap3A_621 = vector.load %arg8[%swap3A, %swap3A_620] : memref<128x8xf32, #tpu.memory_space<vmem>>, vector<128x8xf32>
    tpu.vector_store %arg8[%swap3A, %swap3A_620], %add3A_619 {strides = array<i32>} : memref<128x8xf32, #tpu.memory_space<vmem>>, vector<128x8xf32>,
    %concatenate3A = tpu.concatenate %broadcast_in_dim3A_566, %broadcast_in_dim3A_582 in 1 : vector<128x1xi32>, vector<128x1xi32> -> vector<128x2xi32>
    %swap3A_622 = arith.constant 0 : index
    %swap3A_623 = arith.constant 0 : index
    %swap3A_624 = vector.load %arg9[%swap3A_622, %swap3A_623] : memref<128x2xi32, #tpu.memory_space<vmem>>, vector<128x2xi32>
    tpu.vector_store %arg9[%swap3A_622, %swap3A_623], %concatenate3A {strides = array<i32>} : memref<128x2xi32, #tpu.memory_space<vmem>>, vector<128x2xi32>,
    return
  }
  func.func @transform_0(%arg0: i32) -> (i32, i32) {
    %c0_i32 = arith.constant 0 : i32
    %c0_i32_0 = arith.constant 0 : i32
    return %arg0, %c0_i32 : i32, i32
  }
  func.func @transform_1(%arg0: i32) -> (i32, i32, i32) {
    %c0_i32 = arith.constant 0 : i32
    %c0_i32_0 = arith.constant 0 : i32
    %c0_i32_1 = arith.constant 0 : i32
    return %arg0, %c0_i32, %c0_i32_0 : i32, i32, i32
  }
  func.func @transform_2(%arg0: i32) -> (i32, i32) {
    %c0_i32 = arith.constant 0 : i32
    %c0_i32_0 = arith.constant 0 : i32
    %c0_i32_1 = arith.constant 0 : i32
    return %c0_i32, %c0_i32_0 : i32, i32
  }
  func.func @transform_3(%arg0: i32) -> (i32, i32) {
    %c0_i32 = arith.constant 0 : i32
    %c0_i32_0 = arith.constant 0 : i32
    %c0_i32_1 = arith.constant 0 : i32
    return %c0_i32, %c0_i32_0 : i32, i32
  }
  func.func @transform_4(%arg0: i32) -> (i32, i32) {
    %c0_i32 = arith.constant 0 : i32
    %c0_i32_0 = arith.constant 0 : i32
    %c0_i32_1 = arith.constant 0 : i32
    return %c0_i32, %c0_i32_0 : i32, i32
  }
  func.func @transform_5(%arg0: i32) -> (i32, i32) {
    %c0_i32 = arith.constant 0 : i32
    %c0_i32_0 = arith.constant 0 : i32
    %c0_i32_1 = arith.constant 0 : i32
    return %c0_i32, %c0_i32_0 : i32, i32
  }
  func.func @transform_6(%arg0: i32) -> (i32, i32) {
    %c0_i32 = arith.constant 0 : i32
    %c0_i32_0 = arith.constant 0 : i32
    %c0_i32_1 = arith.constant 0 : i32
    return %c0_i32, %c0_i32_0 : i32, i32
  }
  func.func @transform_7(%arg0: i32) -> (i32, i32) {
    %c0_i32 = arith.constant 0 : i32
    %c0_i32_0 = arith.constant 0 : i32
    return %arg0, %c0_i32 : i32, i32
  }
  func.func @transform_8(%arg0: i32) -> (i32, i32) {
    %c0_i32 = arith.constant 0 : i32
    %c0_i32_0 = arith.constant 0 : i32
    return %arg0, %c0_i32 : i32, i32
  }
}

module attributes {stable_mosaic.version = 14 : i64} {
  func.func @_expert_body(%arg0: i32, %arg1: memref<1024x256xf32, #tpu.memory_space<vmem>>, %arg2: memref<1024x8xf32, #tpu.memory_space<vmem>>, %arg3: memref<1x256x512xf32, #tpu.memory_space<vmem>>, %arg4: memref<1x1x512xf32, #tpu.memory_space<vmem>>, %arg5: memref<1x512x512xf32, #tpu.memory_space<vmem>>, %arg6: memref<1x1x512xf32, #tpu.memory_space<vmem>>, %arg7: memref<1x512x256xf32, #tpu.memory_space<vmem>>, %arg8: memref<1x1x256xf32, #tpu.memory_space<vmem>>, %arg9: memref<256x16xf32, #tpu.memory_space<vmem>>, %arg10: memref<1x16xf32, #tpu.memory_space<vmem>>, %arg11: memref<1024x16xf32, #tpu.memory_space<vmem>>, %arg12: memref<1024x256xf32, #tpu.memory_space<vmem>>) attributes {dimension_semantics = [#tpu.dimension_semantics<arbitrary>], iteration_bounds = array<i64: 8>, scalar_prefetch = 0 : i64, scratch_operands = 1 : i64, tpu.core_type = #tpu.core_type<tc>, window_params = [{pipeline_mode = #tpu.pipeline_mode<synchronous>, transform_indices = @transform_0, window_bounds = array<i64: 1024, 256>}, {pipeline_mode = #tpu.pipeline_mode<synchronous>, transform_indices = @transform_1, window_bounds = array<i64: 1024, 8>}, {transform_indices = @transform_2, window_bounds = array<i64: 1, 256, 512>}, {transform_indices = @transform_3, window_bounds = array<i64: 1, 1, 512>}, {transform_indices = @transform_4, window_bounds = array<i64: 1, 512, 512>}, {transform_indices = @transform_5, window_bounds = array<i64: 1, 1, 512>}, {transform_indices = @transform_6, window_bounds = array<i64: 1, 512, 256>}, {transform_indices = @transform_7, window_bounds = array<i64: 1, 1, 256>}, {pipeline_mode = #tpu.pipeline_mode<synchronous>, transform_indices = @transform_8, window_bounds = array<i64: 256, 16>}, {pipeline_mode = #tpu.pipeline_mode<synchronous>, transform_indices = @transform_9, window_bounds = array<i64: 1, 16>}, {pipeline_mode = #tpu.pipeline_mode<synchronous>, transform_indices = @transform_10, window_bounds = array<i64: 1024, 16>}]} {
    %get3A = arith.constant 0 : index
    %get3A_0 = arith.constant 0 : index
    %get3A_1 = vector.load %arg1[%get3A, %get3A_0] : memref<1024x256xf32, #tpu.memory_space<vmem>>, vector<1024x256xf32>
    %get3A_2 = arith.constant 0 : index
    %get3A_3 = arith.constant 0 : index
    %get3A_4 = arith.constant 0 : index
    %get3A_5 = vector.load %arg3[%get3A_2, %get3A_3, %get3A_4] : memref<1x256x512xf32, #tpu.memory_space<vmem>>, vector<1x256x512xf32>
    %get3A_6 = vector.shape_cast %get3A_5 : vector<1x256x512xf32> to vector<256x512xf32>
    %dot_general3A = arith.constant dense<0.000000e+00> : vector<1024x512xf32>
    %dot_general3A_7 = tpu.matmul %get3A_1, %get3A_6, %dot_general3A {dimension_numbers = #tpu.dot_dimension_numbers<[1], [0], [0], [1], [0, 0, 1, 1], [], []>, transpose_lhs_hint = false} : vector<1024x256xf32>, vector<256x512xf32>, vector<1024x512xf32> -> vector<1024x512xf32>
    %get3A_8 = arith.constant 0 : index
    %get3A_9 = arith.constant 0 : index
    %get3A_10 = arith.constant 0 : index
    %get3A_11 = vector.load %arg4[%get3A_8, %get3A_9, %get3A_10] : memref<1x1x512xf32, #tpu.memory_space<vmem>>, vector<1x1x512xf32>
    %get3A_12 = vector.shape_cast %get3A_11 : vector<1x1x512xf32> to vector<1x512xf32>
    %add3A = vector.broadcast %get3A_12 : vector<1x512xf32> to vector<1024x512xf32>
    %add3A_13 = arith.addf %dot_general3A_7, %add3A : vector<1024x512xf32>
    %max3A = arith.constant 0.000000e+00 : f32
    %max3A_14 = vector.broadcast %max3A : f32 to vector<1024x512xf32>
    %max3A_15 = arith.maximumf %add3A_13, %max3A_14 : vector<1024x512xf32>
    %get3A_16 = arith.constant 0 : index
    %get3A_17 = arith.constant 0 : index
    %get3A_18 = arith.constant 0 : index
    %get3A_19 = vector.load %arg5[%get3A_16, %get3A_17, %get3A_18] : memref<1x512x512xf32, #tpu.memory_space<vmem>>, vector<1x512x512xf32>
    %get3A_20 = vector.shape_cast %get3A_19 : vector<1x512x512xf32> to vector<512x512xf32>
    %dot_general3A_21 = arith.constant dense<0.000000e+00> : vector<1024x512xf32>
    %dot_general3A_22 = tpu.matmul %max3A_15, %get3A_20, %dot_general3A_21 {dimension_numbers = #tpu.dot_dimension_numbers<[1], [0], [0], [1], [0, 0, 1, 1], [], []>, transpose_lhs_hint = false} : vector<1024x512xf32>, vector<512x512xf32>, vector<1024x512xf32> -> vector<1024x512xf32>
    %get3A_23 = arith.constant 0 : index
    %get3A_24 = arith.constant 0 : index
    %get3A_25 = arith.constant 0 : index
    %get3A_26 = vector.load %arg6[%get3A_23, %get3A_24, %get3A_25] : memref<1x1x512xf32, #tpu.memory_space<vmem>>, vector<1x1x512xf32>
    %get3A_27 = vector.shape_cast %get3A_26 : vector<1x1x512xf32> to vector<1x512xf32>
    %add3A_28 = vector.broadcast %get3A_27 : vector<1x512xf32> to vector<1024x512xf32>
    %add3A_29 = arith.addf %dot_general3A_22, %add3A_28 : vector<1024x512xf32>
    %max3A_30 = arith.constant 0.000000e+00 : f32
    %max3A_31 = vector.broadcast %max3A_30 : f32 to vector<1024x512xf32>
    %max3A_32 = arith.maximumf %add3A_29, %max3A_31 : vector<1024x512xf32>
    %get3A_33 = arith.constant 0 : index
    %get3A_34 = arith.constant 0 : index
    %get3A_35 = arith.constant 0 : index
    %get3A_36 = vector.load %arg7[%get3A_33, %get3A_34, %get3A_35] : memref<1x512x256xf32, #tpu.memory_space<vmem>>, vector<1x512x256xf32>
    %get3A_37 = vector.shape_cast %get3A_36 : vector<1x512x256xf32> to vector<512x256xf32>
    %dot_general3A_38 = arith.constant dense<0.000000e+00> : vector<1024x256xf32>
    %dot_general3A_39 = tpu.matmul %max3A_32, %get3A_37, %dot_general3A_38 {dimension_numbers = #tpu.dot_dimension_numbers<[1], [0], [0], [1], [0, 0, 1, 1], [], []>, transpose_lhs_hint = false} : vector<1024x512xf32>, vector<512x256xf32>, vector<1024x256xf32> -> vector<1024x256xf32>
    %get3A_40 = arith.constant 0 : index
    %get3A_41 = arith.constant 0 : index
    %get3A_42 = arith.constant 0 : index
    %get3A_43 = vector.load %arg8[%get3A_40, %get3A_41, %get3A_42] : memref<1x1x256xf32, #tpu.memory_space<vmem>>, vector<1x1x256xf32>
    %get3A_44 = vector.shape_cast %get3A_43 : vector<1x1x256xf32> to vector<1x256xf32>
    %add3A_45 = vector.broadcast %get3A_44 : vector<1x256xf32> to vector<1024x256xf32>
    %add3A_46 = arith.addf %dot_general3A_39, %add3A_45 : vector<1024x256xf32>
    %iota3A = tpu.iota {dimensions = array<i32: 1>} : vector<1024x8xi32>
    %eq3A = vector.broadcast %arg0 : i32 to vector<1024x8xi32>
    %eq3A_47 = arith.cmpi eq, %iota3A, %eq3A : vector<1024x8xi32>
    %get3A_48 = arith.constant 0 : index
    %get3A_49 = arith.constant 0 : index
    %get3A_50 = vector.load %arg2[%get3A_48, %get3A_49] : memref<1024x8xf32, #tpu.memory_space<vmem>>, vector<1024x8xf32>
    %jit3A = arith.constant 0.000000e+00 : f32
    %broadcast_in_dim3A = vector.broadcast %jit3A : f32 to vector<1024x8xf32>
    %select_n3A = arith.select %eq3A_47, %get3A_50, %broadcast_in_dim3A : vector<1024x8xi1>, vector<1024x8xf32>
    %reduce_sum3A = arith.constant dense<0.000000e+00> : vector<1024xf32>
    %reduce_sum3A_51 = vector.multi_reduction <add>, %select_n3A, %reduce_sum3A [1] : vector<1024x8xf32> to vector<1024xf32>
    %broadcast_in_dim3A_52 = vector.shape_cast %reduce_sum3A_51 : vector<1024xf32> to vector<1024x1xf32>
    %eq3A_53 = arith.constant 0 : i32
    %eq3A_54 = arith.cmpi eq, %arg0, %eq3A_53 : i32
    %convert_element_type3A = arith.extui %eq3A_54 : i1 to i32
    %cond3A = arith.constant 0 : i32
    %cond3A_55 = arith.cmpi ne, %convert_element_type3A, %cond3A : i32
    scf.if %cond3A_55 {
      %broadcast_in_dim3A_68 = arith.constant 0.000000e+00 : f32
      %broadcast_in_dim3A_69 = vector.broadcast %broadcast_in_dim3A_68 : f32 to vector<1024x256xf32>
      %swap3A_70 = arith.constant 0 : index
      %swap3A_71 = arith.constant 0 : index
      %swap3A_72 = vector.load %arg12[%swap3A_70, %swap3A_71] : memref<1024x256xf32, #tpu.memory_space<vmem>>, vector<1024x256xf32>
      tpu.vector_store %arg12[%swap3A_70, %swap3A_71], %broadcast_in_dim3A_69 {strides = array<i32>} : memref<1024x256xf32, #tpu.memory_space<vmem>>, vector<1024x256xf32>,
    } else {
    }
    %get3A_56 = arith.constant 0 : index
    %get3A_57 = arith.constant 0 : index
    %get3A_58 = vector.load %arg12[%get3A_56, %get3A_57] : memref<1024x256xf32, #tpu.memory_space<vmem>>, vector<1024x256xf32>
    %mul3A = vector.broadcast %broadcast_in_dim3A_52 : vector<1024x1xf32> to vector<1024x256xf32>
    %mul3A_59 = arith.mulf %mul3A, %add3A_46 : vector<1024x256xf32>
    %add3A_60 = arith.addf %get3A_58, %mul3A_59 : vector<1024x256xf32>
    %swap3A = arith.constant 0 : index
    %swap3A_61 = arith.constant 0 : index
    %swap3A_62 = vector.load %arg12[%swap3A, %swap3A_61] : memref<1024x256xf32, #tpu.memory_space<vmem>>, vector<1024x256xf32>
    tpu.vector_store %arg12[%swap3A, %swap3A_61], %add3A_60 {strides = array<i32>} : memref<1024x256xf32, #tpu.memory_space<vmem>>, vector<1024x256xf32>,
    %eq3A_63 = arith.constant 7 : i32
    %eq3A_64 = arith.cmpi eq, %arg0, %eq3A_63 : i32
    %convert_element_type3A_65 = arith.extui %eq3A_64 : i1 to i32
    %cond3A_66 = arith.constant 0 : i32
    %cond3A_67 = arith.cmpi ne, %convert_element_type3A_65, %cond3A_66 : i32
    scf.if %cond3A_67 {
      %get3A_68 = arith.constant 0 : index
      %get3A_69 = arith.constant 0 : index
      %get3A_70 = vector.load %arg12[%get3A_68, %get3A_69] : memref<1024x256xf32, #tpu.memory_space<vmem>>, vector<1024x256xf32>
      %get3A_71 = arith.constant 0 : index
      %get3A_72 = arith.constant 0 : index
      %get3A_73 = vector.load %arg9[%get3A_71, %get3A_72] : memref<256x16xf32, #tpu.memory_space<vmem>>, vector<256x16xf32>
      %dot_general3A_74 = arith.constant dense<0.000000e+00> : vector<1024x16xf32>
      %dot_general3A_75 = tpu.matmul %get3A_70, %get3A_73, %dot_general3A_74 {dimension_numbers = #tpu.dot_dimension_numbers<[1], [0], [0], [1], [0, 0, 1, 1], [], []>, transpose_lhs_hint = false} : vector<1024x256xf32>, vector<256x16xf32>, vector<1024x16xf32> -> vector<1024x16xf32>
      %get3A_76 = arith.constant 0 : index
      %get3A_77 = arith.constant 0 : index
      %get3A_78 = vector.load %arg10[%get3A_76, %get3A_77] : memref<1x16xf32, #tpu.memory_space<vmem>>, vector<1x16xf32>
      %add3A_79 = vector.broadcast %get3A_78 : vector<1x16xf32> to vector<1024x16xf32>
      %add3A_80 = arith.addf %dot_general3A_75, %add3A_79 : vector<1024x16xf32>
      %swap3A_81 = arith.constant 0 : index
      %swap3A_82 = arith.constant 0 : index
      %swap3A_83 = vector.load %arg11[%swap3A_81, %swap3A_82] : memref<1024x16xf32, #tpu.memory_space<vmem>>, vector<1024x16xf32>
      tpu.vector_store %arg11[%swap3A_81, %swap3A_82], %add3A_80 {strides = array<i32>} : memref<1024x16xf32, #tpu.memory_space<vmem>>, vector<1024x16xf32>,
    } else {
    }
    return
  }
  func.func @transform_0(%arg0: i32) -> (i32, i32) {
    %c0_i32 = arith.constant 0 : i32
    %c0_i32_0 = arith.constant 0 : i32
    %c0_i32_1 = arith.constant 0 : i32
    return %c0_i32, %c0_i32_0 : i32, i32
  }
  func.func @transform_1(%arg0: i32) -> (i32, i32) {
    %c0_i32 = arith.constant 0 : i32
    %c0_i32_0 = arith.constant 0 : i32
    %c0_i32_1 = arith.constant 0 : i32
    return %c0_i32, %c0_i32_0 : i32, i32
  }
  func.func @transform_2(%arg0: i32) -> (i32, i32, i32) {
    %c0_i32 = arith.constant 0 : i32
    %c0_i32_0 = arith.constant 0 : i32
    %c0_i32_1 = arith.constant 0 : i32
    return %arg0, %c0_i32, %c0_i32_0 : i32, i32, i32
  }
  func.func @transform_3(%arg0: i32) -> (i32, i32, i32) {
    %c0_i32 = arith.constant 0 : i32
    %c0_i32_0 = arith.constant 0 : i32
    %c0_i32_1 = arith.constant 0 : i32
    return %arg0, %c0_i32, %c0_i32_0 : i32, i32, i32
  }
  func.func @transform_4(%arg0: i32) -> (i32, i32, i32) {
    %c0_i32 = arith.constant 0 : i32
    %c0_i32_0 = arith.constant 0 : i32
    %c0_i32_1 = arith.constant 0 : i32
    return %arg0, %c0_i32, %c0_i32_0 : i32, i32, i32
  }
  func.func @transform_5(%arg0: i32) -> (i32, i32, i32) {
    %c0_i32 = arith.constant 0 : i32
    %c0_i32_0 = arith.constant 0 : i32
    %c0_i32_1 = arith.constant 0 : i32
    return %arg0, %c0_i32, %c0_i32_0 : i32, i32, i32
  }
  func.func @transform_6(%arg0: i32) -> (i32, i32, i32) {
    %c0_i32 = arith.constant 0 : i32
    %c0_i32_0 = arith.constant 0 : i32
    %c0_i32_1 = arith.constant 0 : i32
    return %arg0, %c0_i32, %c0_i32_0 : i32, i32, i32
  }
  func.func @transform_7(%arg0: i32) -> (i32, i32, i32) {
    %c0_i32 = arith.constant 0 : i32
    %c0_i32_0 = arith.constant 0 : i32
    %c0_i32_1 = arith.constant 0 : i32
    return %arg0, %c0_i32, %c0_i32_0 : i32, i32, i32
  }
  func.func @transform_8(%arg0: i32) -> (i32, i32) {
    %c0_i32 = arith.constant 0 : i32
    %c0_i32_0 = arith.constant 0 : i32
    %c0_i32_1 = arith.constant 0 : i32
    return %c0_i32, %c0_i32_0 : i32, i32
  }
  func.func @transform_9(%arg0: i32) -> (i32, i32) {
    %c0_i32 = arith.constant 0 : i32
    %c0_i32_0 = arith.constant 0 : i32
    %c0_i32_1 = arith.constant 0 : i32
    return %c0_i32, %c0_i32_0 : i32, i32
  }
  func.func @transform_10(%arg0: i32) -> (i32, i32) {
    %c0_i32 = arith.constant 0 : i32
    %c0_i32_0 = arith.constant 0 : i32
    %c0_i32_1 = arith.constant 0 : i32
    return %c0_i32, %c0_i32_0 : i32, i32
  }
}

</mosaic_0001>

<sc_bundles>
// kernel: kernel.6.cloned.1.call-start
scs
__scs_entry_jumppad:
0x0: {  	(pc) =	sbr.rel $0x88, $3  }
0x1: {  	(tag) =	ssettag $0x0;
	lr =	simm.s32 $0x1  }
0x2: {  	[smem:$0x3F88] =	sst lr;
	_ =	strace $0xD0000000  }
0x3: {  	_ = 	snop  }
0x4: {  	_ = 	snop  }
0x5: {  	_ = 	snop  }
0x6: {  	_ = 	snop  }
0x7: {  	_ = 	snop  }
__scs_overlays_trampoline_lowered:
0x8: {  	[smem:$0x3F97] =	sst s0  }
0x9: {  	[smem:$0x3F98] =	sst s1  }
0xa: {  	[smem:$0x3F99] =	sst s2  }
0xb: {  	[smem:$0x3F9A] =	sst s3  }
0xc: {  	[smem:$0x3F9B] =	sst s4  }
0xd: {  	[smem:$0x3F9C] =	sst s5  }
0xe: {  	[smem:$0x3F9D] =	sst s6  }
0xf: {  	[smem:$0x3F9E] =	sst s7  }
0x10: {  	[smem:$0x3F9F] =	sst s8  }
0x11: {  	[smem:$0x3FA0] =	sst s9;
	s0 =	simm.s32 @!p0 $0x0  }
0x12: {  	s1 =	sld [smem:$0x3F86];
	s0 =	simm.s32 @p0 $0x1  }
0x13: {  	[smem:$0x3FA1] =	sst s0;
	s0 =	simm.s32 @!p1 $0x0  }
0x14: {  	s2 =	sld [smem:$0x3F85];
	s0 =	simm.s32 @p1 $0x1  }
0x15: {  	[smem:$0x3FA2] =	sst s0;
	s0 =	simm.s32 @!p2 $0x0  }
0x16: {  	s3 =	sld [smem:$0x3FDB];
	s0 =	simm.s32 @p2 $0x1  }
0x17: {  	s4 =	simm.s32 $0x1BF5;
	[smem:$0x3FA4] =	sst s0  }
0x18: {  	s0 =	sld [smem:$0x3F87];
	_ =	swait.ge [sflag:s4], $0x0  }
0x19: {  	s7 =	sld [smem:$0x3F88]  }
0x1a: {  	s8 =	sadd.s32 $0xFFFFE003, lr  }
0x1b: {  	s9 =	sadd.s32 $0xFFFFFEF7, lr;
	s5 =	simm.s32 $0xFFFFFFFF;
	p2 =	slt.u32 s8, $0xFFFFF086  }
0x1c: {  	p1 =	slt.u32 s9, $0xF7A;
	s5 =	simm.s32 @!p2 $0x0  }
0x1d: {  	s5 =	simm.s32 @p1 $0x1;
	p0 =	seq.s32 s7, s2  }
0x1e: {  	s7 =	smul.u32 @!p0 $0xF7A, s2;
	p2 =	seq.s32 @!p0 s5, $0x0  }
0x1f: {  	s9 =	smul.u32 $0xF7A, s1;
	s8 =	simm.s32 @!p0 $0x1BF5;
	p2 =	por !p2, p0  }
0x20: {  	[sflag:s8] =	ssyncset.s32 @!p0 $0xFFFFF086;
	s6 =	sadd.s32 @!p0 s3, s7;
	s7 =	simm.s32 @!p0 $0x108  }
0x21: {  	s3 =	sadd.s32 s3, s9;
	s6 =	sadd.s32 @!p0 $0x88, s6;
	s7 =	simm.s32 @p2 $0x1082  }
0x22: {  	[simem:s7], [sflag:s8] =	dma.local @!p0 [hbm:s6], $0xF7A  }
0x23: {  	s9 =	sor.u32 $0xD0000000, s2;
	s6 =	simm.s32 $0x108;
	_ =	swait.ge @!p0 [sflag:s8], $0x0  }
0x24: {  	s3 =	sadd.s32 $0x88, s3;
	s6 =	simm.s32 @!p1 $0x1082;
	[sflag:s4] =	ssyncset.s32 $0xFFFFF086  }
0x25: {  	[simem:s6], [sflag:s4] =	dma.local [hbm:s3], $0xF7A  }
0x26: {  	[smem:$0x3F88] =	sst s1;
	(tag) =	ssettag s2;
	_ =	strace s9  }
0x27: {  	s1 =	sld [smem:$0x3F98]  }
0x28: {  	s2 =	sld [smem:$0x3F99]  }
0x29: {  	s4 =	sld [smem:$0x3F9B]  }
0x2a: {  	p0 =	seq.s32 s5, $0x0;
	s5 =	sld [smem:$0x3F9C]  }
0x2b: {  	s6 =	sld [smem:$0x3F9D]  }
0x2c: {  	s7 =	sld [smem:$0x3F9E]  }
0x2d: {  	s3 =	simm.s32 $0x108;
	s8 =	sld [smem:$0x3F9F]  }
0x2e: {  	s3 =	simm.s32 @!p0 $0x1082;
	s9 =	sld [smem:$0x3FA0]  }
0x2f: {  	lr =	sadd.s32 s0, s3;
	s0 =	sld [smem:$0x3F97]  }
0x30: {  	s3 =	sld [smem:$0x3F9A]  }
0x31: {  	[smem:$0x3FA3] =	sst s10  }
0x32: {  	s10 =	sld [smem:$0x3FA1];
	_ =	sdelay $0x3  }
0x33: {  	p0 =	seq.s32 s10, $0x1;
	s10 =	sld [smem:$0x3FA3];
	_ =	sdelay $0x3  }
0x34: {  	[smem:$0x3FA3] =	sst s10  }
0x35: {  	s10 =	sld [smem:$0x3FA2];
	_ =	sdelay $0x3  }
0x36: {  	p1 =	seq.s32 s10, $0x1;
	s10 =	sld [smem:$0x3FA3];
	_ =	sdelay $0x3  }
0x37: {  	[smem:$0x3FA3] =	sst s10  }
0x38: {  	s10 =	sld [smem:$0x3FA4]  }
0x39: {  	_ = 	snop;
	(pc) =	sbr.ind lr, $3  }
0x3a: {  	_ = 	snop  }
0x3b: {  	_ = 	snop  }
0x3c: {  	p2 =	seq.s32 s10, $0x1;
	s10 =	sld [smem:$0x3FA3]  }
0x3d: {  	_ =	shalt  }
0x3e: {  	_ =	shalt  }
0x3f: {  	_ =	shalt  }
0x40: {  	_ =	shalt  }
0x41: {  	_ =	shalt  }
0x42: {  	_ =	shalt  }
0x43: {  	_ =	shalt  }
0x44: {  	_ =	shalt  }
0x45: {  	_ =	shalt  }
0x46: {  	_ =	shalt  }
0x47: {  	_ =	shalt  }
0x48: {  	_ =	shalt  }
0x49: {  	_ =	shalt  }
0x4a: {  	_ =	shalt  }
0x4b: {  	_ =	shalt  }
0x4c: {  	_ =	shalt  }
0x4d: {  	_ =	shalt  }
0x4e: {  	_ =	shalt  }
0x4f: {  	_ =	shalt  }
0x50: {  	_ =	shalt  }
0x51: {  	_ =	shalt  }
0x52: {  	_ =	shalt  }
0x53: {  	_ =	shalt  }
0x54: {  	_ =	shalt  }
0x55: {  	_ =	shalt  }
0x56: {  	_ =	shalt  }
0x57: {  	_ =	shalt  }
0x58: {  	_ =	shalt  }
0x59: {  	_ =	shalt  }
0x5a: {  	_ =	shalt  }
0x5b: {  	_ =	shalt  }
0x5c: {  	_ =	shalt  }
0x5d: {  	_ =	shalt  }
0x5e: {  	_ =	shalt  }
0x5f: {  	_ =	shalt  }
0x60: {  	_ =	shalt  }
0x61: {  	_ =	shalt  }
0x62: {  	_ =	shalt  }
0x63: {  	_ =	shalt  }
0x64: {  	_ =	shalt  }
0x65: {  	_ =	shalt  }
0x66: {  	_ =	shalt  }
0x67: {  	_ =	shalt  }
0x68: {  	_ =	shalt  }
0x69: {  	_ =	shalt  }
0x6a: {  	_ =	shalt  }
0x6b: {  	_ =	shalt  }
0x6c: {  	_ =	shalt  }
0x6d: {  	_ =	shalt  }
0x6e: {  	_ =	shalt  }
0x6f: {  	_ =	shalt  }
0x70: {  	_ =	shalt  }
0x71: {  	_ =	shalt  }
0x72: {  	_ =	shalt  }
0x73: {  	_ =	shalt  }
0x74: {  	_ =	shalt  }
0x75: {  	_ =	shalt  }
0x76: {  	_ =	shalt  }
0x77: {  	_ =	shalt  }
0x78: {  	_ =	shalt  }
0x79: {  	_ =	shalt  }
0x7a: {  	_ =	shalt  }
0x7b: {  	_ =	shalt  }
0x7c: {  	_ =	shalt  }
0x7d: {  	_ =	shalt  }
0x7e: {  	_ =	shalt  }
0x7f: {  	_ =	shalt  }
0x80: {  	_ =	shalt  }
0x81: {  	_ =	shalt  }
0x82: {  	_ =	shalt  }
0x83: {  	_ =	shalt  }
0x84: {  	_ =	shalt  }
0x85: {  	_ =	shalt  }
0x86: {  	_ =	shalt  }
0x87: {  	_ =	shalt  }
.Lfunc_end0:
.L_simem_size_0:
called_computation_lowered:
.L_overlay_start_0:
0x88: {  	s2 =	sld [smem:$0x3FD9]  }
0x89: {  	s3 =	sld [smem:$0x3FFE];
	_ =	sdelay $0x1  }
0x8a: {  	s1 =	srdreg.scid  }
0x8b: {  	s0 =	sand.u32 $0x1, s1  }
0x8c: {  	s17 =	sshll.u32 s0, $0xA;
	s2 =	sadd.s32 s3, s2  }
0x8d: {  	s2 =	sadd.s32 s2, s17  }
0x8e: {  	[smem:$0x3FAF] =	sst s2  }
0x8f: {  	_ = 	snop  }
0x90: {  	s2 =	sld [smem:$0x3FC6];
	(tm) =	ssettm $0x1  }
0x91: {  	s18 =	sld [smem:$0x3FFB];
	_ =	sdelay $0x3  }
0x92: {  	_ =	strace s18  }
0x93: {  	s3 =	sld [smem:$0x3FFC];
	_ =	sdelay $0x3  }
0x94: {  	_ =	strace s3  }
0x95: {  	s3 =	sld [smem:$0x3FFD];
	_ =	sdelay $0x3  }
0x96: {  	_ =	strace s3  }
0x97: {  	_ =	strace $0x8FFFFFFF  }
0x98: {  	s19 =	sld [smem:$0x3FDB];
	_ =	sdelay $0x1  }
0x99: {  	s4 =	simm.s32 $_scs_section_size  }
0x9a: {  	s5 =	simm.s32 $_size__tile_overlayer_lowered;
	s6 =	simm.s32 $_tile_overlayer_lowered  }
0x9b: {  	s22 =	simm.s32 $0x1BFF;
	s21 =	sshll.u32 s6, $0x1;
	s3 =	sadd.s32 s4, s19  }
0x9c: {  	s7 =	simm.s32 $0x0;
	s20 =	sshll.u32 s5, $0x1;
	s5 =	sadd.s32 s21, s3  }
0x9d: {  	[timem:s7], [sflag:s22] =	dma.local [hbm:s5], s20  }
0x9e: {  	_ =	swait.ge [sflag:s22], s20  }
0x9f: {  	s4 =	ssub.s32 $0x0, s20;
	[sflag:s22] =	ssyncset.done $0x0  }
0xa0: {  	[sflag:s22] =	ssyncadd.s32 s4;
	_ =	sdelay $0x1  }
0xa1: {  	s23 =	simm.s32 $0x1B8B  }
0xa2: {  	_ =	swait.ge [sflag:s23], $0x1  }
0xa3: {  	[sflag:s23] =	ssyncset.done $0x0  }
0xa4: {  	s25 =	simm.s32 $0x1B8E;
	s24 =	sld [smem:$0x3FFE];
	[sflag:s23] =	ssyncadd.s32 $0xFFFFFFFF  }
0xa5: {  	s26 =	simm.s32 $execute0_lowered;
	[smem:$0x3FD2] =	sst s25  }
0xa6: {  	s5 =	sshll.u32 s26, $0x1;
	_ =	strace $0x80000046;
	[dreg:$0x1] =	wrdreg $0xFFFFFFFF  }
0xa7: {  	s28 =	simm.s32 $_size_execute0_lowered;
	s3 =	sadd.s32 s3, s5;
	[dreg:$0x0] =	wrdreg $0x0  }
0xa8: {  	s5 =	sshll.u32 s28, $0x1;
	[dreg:$0x2] =	wrdreg s3  }
0xa9: {  	[dreg:$0x3] =	wrdreg s5  }
0xaa: {  	[dreg:$0x4] =	wrdreg $0xC0  }
0xab: {  	_ =	task [dreg:s7], $0x5FFFF  }
0xac: {  	[dreg:$0x1] =	wrdreg $0xFFFFFFFF  }
0xad: {  	[dreg:$0x0] =	wrdreg $0x60  }
0xae: {  	[dreg:$0x2] =	wrdreg s2  }
0xaf: {  	[dreg:$0x3] =	wrdreg s24  }
0xb0: {  	[dreg:$0x4] =	wrdreg $0x9  }
0xb1: {  	_ =	task.clear_ibuf [dreg:s7], $0x5FFFF;
	_ =	strace $0x90000046  }
0xb2: {  	s29 =	simm.s32 $0x9;
	_ =	strace $0x80000048  }
0xb3: {  	_ =	swait.ge [sflag:s29], $0x1  }
0xb4: {  	[sflag:s29] =	ssyncadd.s32 $0xFFFFFFFF  }
0xb5: {  	_ =	strace $0x90000048  }
0xb6: {  	_ =	sfence  }
0xb7: {  	s30 =	sld [smem:$0x0];
	_ =	sdelay $0x2  }
0xb8: {  	s31 =	sshll.u32 s1, $0xD;
	s1 =	sshrl.u32 s1, $0x2  }
0xb9: {  	s3 =	sand.u32 $0x4000, s31;
	s1 =	sadd.s32 s1, s30  }
0xba: {  	s0 =	sor.u32 s3, s0;
	s1 =	sshll.u32 s1, $0x11  }
0xbb: {  	s0 =	sor.u32 s1, s0  }
0xbc: {  	s0 =	sadd.s32 $0x8F2B, s0  }
0xbd: {  	[sflag:s0] =	ssyncadd.remote.s32 $0x1  }
0xbe: {  	_ =	sfence.sel $0xFFFF  }
0xbf: {  	[dreg:$0x0] =	wrdreg $0xFFFFFFFF;
	(pc) =	sbr.abs _section_cstart, $3  }
0xc0: {  	[dreg:$0x1] =	wrdreg $0xFFFFFFFF  }
0xc1: {  	_ =	task.clear_ibuf [dreg:s7], $0x2FFFF;
	_ =	strace $0x9FFFFFFF  }
0xc2: {  	(tm) =	ssettm $0x7FFFFFFF  }
0xc3: {  	_ =	shalt  }
tec
execute0_lowered:
.L_overlay_start_1:
0x0: {  	(tag) =	ssettag $0x1  }
0x1: {  	s0 =	srdreg.scid  }
0x2: {  	s31 =	stileid.u32;
	s3 =	rddreg [dreg:$0x0]  }
0x3: {  	s4 =	rddreg [dreg:$0x1];
	s2 =	simm.s32 $0x0;
	s30 =	simm.s32 $0x10200  }
0x4: {  	s29 =	simm.s32 $0x100;
	s0 =	sand.u32 $0x1, s0;
	s1 =	sshll.u32 s31, $0x1  }
0x5: {  	s28 =	simm.s32 $0x1;
	p0 =	por $0x0, $0x0;
	s7 =	sor.u32 s0, s1  }
0x6: {  	[smem:$0x7FF] =	sst s2;
	s6 =	sadd.s32 $0x3800, s4;
	s5 =	smul.u32 $0x640, s7  }
0x7: {  	s4 =	sadd.s32 $0x5200, s4;
	_ =	strace $0x80000047;
	s0 =	ssub.s32 $0x2, s0  }
0x8: {  	s7 =	smul.u32 $0x6400, s7;
	s1 =	sadd.s32 $0x600, s5;
	s9 =	sshrl.u32 s5, $0x3  }
0x9: {  	s22 =	sadd.s32 $0x80, s5;
	s10 =	sadd.s32 $0x100, s5;
	s25 =	sadd.s32 $0x180, s5  }
0xa: {  	s7 =	sadd.s32 s4, s7;
	s13 =	sadd.s32 $0x200, s5;
	s16 =	sadd.s32 $0x280, s5  }
0xb: {  	s8 =	sshrl.u32 s1, $0x3;
	s21 =	sadd.s32 s6, s9;
	s23 =	sshrl.u32 s22, $0x3  }
0xc: {  	s11 =	sshrl.u32 s10, $0x3;
	s26 =	sshrl.u32 s25, $0x3;
	[dreg:$0x7] =	wrdreg s7  }
0xd: {  	s9 =	sshll.u32 s22, $0x4;
	s14 =	sshrl.u32 s13, $0x3;
	s15 =	sshll.u32 s10, $0x4  }
0xe: {  	s18 =	sshrl.u32 s16, $0x3;
	s8 =	sadd.s32 s6, s8;
	[dreg:$0x4] =	wrdreg s21  }
0xf: {  	s20 =	sshll.u32 s25, $0x4;
	s24 =	sadd.s32 s6, s11;
	[dreg:$0x3] =	wrdreg s8  }
0x10: {  	s22 =	sadd.s32 $0x300, s5;
	s12 =	sadd.s32 s4, s9;
	[dreg:$0x6] =	wrdreg s24  }
0x11: {  	s10 =	sshll.u32 s16, $0x4;
	s7 =	sadd.s32 s6, s14;
	[dreg:$0x9] =	wrdreg s12  }
0x12: {  	s1 =	sshll.u32 s1, $0x4;
	s17 =	sadd.s32 s4, s15;
	[dreg:$0xa] =	wrdreg s7  }
0x13: {  	s19 =	sadd.s32 s6, s18;
	s21 =	sadd.s32 s4, s20;
	[dreg:$0xb] =	wrdreg s17  }
0x14: {  	s14 =	sshrl.u32 s0, $0x1;
	s9 =	sshll.u32 s22, $0x4;
	[dreg:$0xc] =	wrdreg s19  }
0x15: {  	s11 =	simm.s32 $0x5;
	s8 =	sadd.s32 s6, s23;
	[dreg:$0xd] =	wrdreg s21  }
0x16: {  	s23 =	sshrl.u32 s22, $0x3;
	s24 =	sadd.s32 $0x380, s5;
	s12 =	sadd.s32 s4, s10  }
0x17: {  	s16 =	sadd.s32 s4, s9;
	s21 =	sadd.s32 $0x500, s5;
	s0 =	ssub.s32 s0, s14  }
0x18: {  	s10 =	simm.s32 $0x8;
	[dreg:$0x5] =	wrdreg s8;
	s8 =	sadd.s32 s6, s26  }
0x19: {  	s7 =	sadd.s32 s6, s23;
	s26 =	sshrl.u32 s24, $0x3;
	[dreg:$0x11] =	wrdreg s12  }
0x1a: {  	s12 =	sadd.s32 $0x480, s5;
	[dreg:$0x13] =	wrdreg s16;
	s19 =	sshll.u32 s24, $0x4  }
0x1b: {  	s22 =	sshrl.u32 s21, $0x3;
	s0 =	smax.u32 s0, $0x1;
	[dreg:$0x8] =	wrdreg s8  }
0x1c: {  	s16 =	simm.s32 $0xC200;
	s8 =	sshll.u32 s13, $0x4;
	[dreg:$0xe] =	wrdreg s7  }
0x1d: {  	s13 =	sadd.s32 $0x400, s5;
	s17 =	sshrl.u32 s12, $0x3;
	s20 =	sadd.s32 s4, s19  }
0x1e: {  	s5 =	sadd.s32 $0x580, s5;
	s19 =	simm.s32 $0x4200;
	p1 =	sne.s32 s0, $0x1  }
0x1f: {  	s0 =	sadd.s32 $0xFFFFFFFF, s0;
	s25 =	sadd.s32 s4, s8;
	s8 =	sadd.s32 s6, s26  }
0x20: {  	s15 =	sshrl.u32 s13, $0x3;
	s18 =	sadd.s32 s6, s17;
	[dreg:$0x15] =	wrdreg s20  }
0x21: {  	s23 =	sshll.u32 s13, $0x4;
	s24 =	sshrl.u32 s5, $0x3;
	[dreg:$0x16] =	wrdreg s0  }
0x22: {  	s26 =	sshll.u32 s21, $0x4;
	s5 =	sshll.u32 s5, $0x4;
	s0 =	rddreg [dreg:$0x3]  }
0x23: {  	s20 =	simm.s32 $0x80;
	s17 =	simm.s32 $0x8200;
	[dreg:$0xf] =	wrdreg s25  }
0x24: {  	s13 =	simm.s32 $0x6;
	s21 =	simm.s32 $0x9;
	[dreg:$0x10] =	wrdreg s8  }
0x25: {  	s7 =	sadd.s32 s6, s15;
	[dreg:$0x14] =	wrdreg s18;
	s18 =	sadd.s32 s6, s22  }
0x26: {  	s15 =	sadd.s32 s4, s23;
	s25 =	sshll.u32 s12, $0x4;
	s14 =	sadd.s32 s6, s24  }
.Ltmp0:
0x27: {  	s6 =	sadd.s32 s4, s5;
	s5 =	simm.s32 $0xA;
	(pc) =	sbr.rel @!p1 .LBB2_5-.Ltmp0, $4  }
0x28: {  	s8 =	simm.s32 $0x10280;
	s24 =	simm.s32 $0x180;
	s23 =	simm.s32 $0x2  }
0x29: {  	s22 =	simm.s32 $0x4;
	s12 =	simm.s32 $0x7;
	[dreg:$0x12] =	wrdreg s7  }
0x2a: {  	s9 =	sadd.s32 s4, s25;
	s7 =	sadd.s32 s4, s26;
	s4 =	sadd.s32 s4, s1  }
0x2b: {  	s1 =	simm.s32 $0x40;
	s26 =	simm.s32 $0x200;
	s25 =	simm.s32 $0x3  }
0x2c: {  	[tilespmem:s30], [sflag:$0xA] =	stream.linear.gather [hbm4b:s0+s2], $0x40, $0x38;
	[tilespmem:$0x12280] =	vst v63  }
0x2d: {  	_ =	swait.ge [sflag:s5], $0x40  }
0x2e: {  	[sflag:s5] =	ssyncset.done $0x0  }
0x2f: {  	[sflag:s5] =	ssyncadd.s32 $0xFFFFFFC0  }
0x30: {  	[tilespmem:s8], [sflag:$0x9] =	stream.indirect.gather [hbm4b:s3+s1], $0x80, s30, s1, $0xb8;
	[tilespmem:$0x12280] =	vst v63  }
0x31: {  	s31 =	rddreg [dreg:$0x4]  }
0x32: {  	[tilespmem:s2], [sflag:$0xA] =	stream.linear.gather [hbm4b:s31+s2], $0x80, $0x38;
	[tilespmem:$0x12280] =	vst v63  }
0x33: {  	_ =	swait.ge [sflag:s5], $0x80  }
0x34: {  	[sflag:s5] =	ssyncset.done $0x0  }
0x35: {  	[sflag:s5] =	ssyncadd.s32 $0xFFFFFF80  }
0x36: {  	[tilespmem:s26], [sflag:$0x1] =	stream.indirect.gather [hbm4b:s3+s20], $0x80, s2, s20, $0xb8;
	[tilespmem:$0x12280] =	vst v63  }
0x37: {  	s1 =	rddreg [dreg:$0x5]  }
0x38: {  	[tilespmem:s20], [sflag:$0xA] =	stream.linear.gather [hbm4b:s1+s2], $0x80, $0x38;
	[tilespmem:$0x12280] =	vst v63  }
0x39: {  	_ =	swait.ge [sflag:s5], $0x80  }
0x3a: {  	[sflag:s5] =	ssyncset.done $0x0  }
0x3b: {  	[sflag:s5] =	ssyncadd.s32 $0xFFFFFF80  }
0x3c: {  	[tilespmem:s19], [sflag:$0x2] =	stream.indirect.gather [hbm4b:s3+s20], $0x80, s20, s20, $0xb8;
	[tilespmem:$0x12280] =	vst v63  }
0x3d: {  	s31 =	rddreg [dreg:$0x6]  }
0x3e: {  	[tilespmem:s29], [sflag:$0xA] =	stream.linear.gather [hbm4b:s31+s2], $0x80, $0x38;
	[tilespmem:$0x12280] =	vst v63  }
0x3f: {  	_ =	swait.ge [sflag:s5], $0x80  }
0x40: {  	[sflag:s5] =	ssyncset.done $0x0  }
0x41: {  	[sflag:s5] =	ssyncadd.s32 $0xFFFFFF80  }
0x42: {  	[tilespmem:s17], [sflag:$0x3] =	stream.indirect.gather [hbm4b:s3+s20], $0x80, s29, s20, $0xb8;
	[tilespmem:$0x12280] =	vst v63  }
0x43: {  	_ =	swait.ge [sflag:s28], $0x4000  }
0x44: {  	[sflag:s28] =	ssyncset.done $0x0  }
0x45: {  	s1 =	rddreg [dreg:$0x7];
	[sflag:s28] =	ssyncadd.s32 $0xFFFFC000  }
0x46: {  	[hbm4b:s1+s2] =	stream.linear.scatter [tilespmem:s26], [sflag:$0x5], $0x4000, $0x38;
	[tilespmem:$0x12280] =	vst v63  }
0x47: {  	s31 =	rddreg [dreg:$0x8]  }
0x48: {  	[tilespmem:s24], [sflag:$0xA] =	stream.linear.gather [hbm4b:s31+s2], $0x80, $0x38;
	[tilespmem:$0x12280] =	vst v63  }
0x49: {  	_ =	swait.ge [sflag:s5], $0x80  }
0x4a: {  	[sflag:s5] =	ssyncset.done $0x0  }
0x4b: {  	[sflag:s5] =	ssyncadd.s32 $0xFFFFFF80  }
0x4c: {  	[tilespmem:s16], [sflag:$0x4] =	stream.indirect.gather [hbm4b:s3+s20], $0x80, s24, s20, $0xb8;
	[tilespmem:$0x12280] =	vst v63  }
0x4d: {  	_ =	swait.ge [sflag:s23], $0x4000  }
0x4e: {  	[sflag:s23] =	ssyncset.done $0x0  }
0x4f: {  	s1 =	rddreg [dreg:$0x9];
	[sflag:s23] =	ssyncadd.s32 $0xFFFFC000  }
0x50: {  	[hbm4b:s1+s2] =	stream.linear.scatter [tilespmem:s19], [sflag:$0x6], $0x4000, $0x38;
	[tilespmem:$0x12280] =	vst v63  }
0x51: {  	_ =	swait.ge [sflag:s11], $0x4000  }
0x52: {  	[sflag:s11] =	ssyncset.done $0x0  }
0x53: {  	s31 =	rddreg [dreg:$0xa];
	[sflag:s11] =	ssyncadd.s32 $0xFFFFC000  }
0x54: {  	[tilespmem:s2], [sflag:$0xA] =	stream.linear.gather [hbm4b:s31+s2], $0x80, $0x38;
	[tilespmem:$0x12280] =	vst v63  }
0x55: {  	_ =	swait.ge [sflag:s5], $0x80  }
0x56: {  	[sflag:s5] =	ssyncset.done $0x0  }
0x57: {  	[sflag:s5] =	ssyncadd.s32 $0xFFFFFF80  }
0x58: {  	[tilespmem:s26], [sflag:$0x1] =	stream.indirect.gather [hbm4b:s3+s20], $0x80, s2, s20, $0xb8;
	[tilespmem:$0x12280] =	vst v63  }
0x59: {  	_ =	swait.ge [sflag:s25], $0x4000  }
0x5a: {  	[sflag:s25] =	ssyncset.done $0x0  }
0x5b: {  	s1 =	rddreg [dreg:$0xb];
	[sflag:s25] =	ssyncadd.s32 $0xFFFFC000  }
0x5c: {  	[hbm4b:s1+s2] =	stream.linear.scatter [tilespmem:s17], [sflag:$0x7], $0x4000, $0x38;
	[tilespmem:$0x12280] =	vst v63  }
0x5d: {  	_ =	swait.ge [sflag:s13], $0x4000  }
0x5e: {  	[sflag:s13] =	ssyncset.done $0x0  }
0x5f: {  	s31 =	rddreg [dreg:$0xc];
	[sflag:s13] =	ssyncadd.s32 $0xFFFFC000  }
0x60: {  	[tilespmem:s20], [sflag:$0xA] =	stream.linear.gather [hbm4b:s31+s2], $0x80, $0x38;
	[tilespmem:$0x12280] =	vst v63  }
0x61: {  	_ =	swait.ge [sflag:s5], $0x80  }
0x62: {  	[sflag:s5] =	ssyncset.done $0x0  }
0x63: {  	[sflag:s5] =	ssyncadd.s32 $0xFFFFFF80  }
0x64: {  	[tilespmem:s19], [sflag:$0x2] =	stream.indirect.gather [hbm4b:s3+s20], $0x80, s20, s20, $0xb8;
	[tilespmem:$0x12280] =	vst v63  }
0x65: {  	_ =	swait.ge [sflag:s22], $0x4000  }
0x66: {  	[sflag:s22] =	ssyncset.done $0x0  }
0x67: {  	s1 =	rddreg [dreg:$0xd];
	[sflag:s22] =	ssyncadd.s32 $0xFFFFC000  }
0x68: {  	[hbm4b:s1+s2] =	stream.linear.scatter [tilespmem:s16], [sflag:$0x8], $0x4000, $0x38;
	[tilespmem:$0x12280] =	vst v63  }
0x69: {  	_ =	swait.ge [sflag:s12], $0x4000  }
0x6a: {  	[sflag:s12] =	ssyncset.done $0x0  }
0x6b: {  	s31 =	rddreg [dreg:$0xe];
	[sflag:s12] =	ssyncadd.s32 $0xFFFFC000  }
0x6c: {  	[tilespmem:s29], [sflag:$0xA] =	stream.linear.gather [hbm4b:s31+s2], $0x80, $0x38;
	[tilespmem:$0x12280] =	vst v63  }
0x6d: {  	_ =	swait.ge [sflag:s5], $0x80  }
0x6e: {  	[sflag:s5] =	ssyncset.done $0x0  }
0x6f: {  	[sflag:s5] =	ssyncadd.s32 $0xFFFFFF80  }
0x70: {  	[tilespmem:s17], [sflag:$0x3] =	stream.indirect.gather [hbm4b:s3+s20], $0x80, s29, s20, $0xb8;
	[tilespmem:$0x12280] =	vst v63  }
0x71: {  	_ =	swait.ge [sflag:s28], $0x4000  }
0x72: {  	[sflag:s28] =	ssyncset.done $0x0  }
0x73: {  	s1 =	rddreg [dreg:$0xf];
	[sflag:s28] =	ssyncadd.s32 $0xFFFFC000  }
0x74: {  	[hbm4b:s1+s2] =	stream.linear.scatter [tilespmem:s26], [sflag:$0x5], $0x4000, $0x38;
	[tilespmem:$0x12280] =	vst v63  }
0x75: {  	_ =	swait.ge [sflag:s10], $0x4000  }
0x76: {  	[sflag:s10] =	ssyncset.done $0x0  }
0x77: {  	s31 =	rddreg [dreg:$0x10];
	[sflag:s10] =	ssyncadd.s32 $0xFFFFC000  }
0x78: {  	[tilespmem:s24], [sflag:$0xA] =	stream.linear.gather [hbm4b:s31+s2], $0x80, $0x38;
	[tilespmem:$0x12280] =	vst v63  }
0x79: {  	_ =	swait.ge [sflag:s5], $0x80  }
0x7a: {  	[sflag:s5] =	ssyncset.done $0x0  }
0x7b: {  	[sflag:s5] =	ssyncadd.s32 $0xFFFFFF80  }
0x7c: {  	[tilespmem:s16], [sflag:$0x4] =	stream.indirect.gather [hbm4b:s3+s20], $0x80, s24, s20, $0xb8;
	[tilespmem:$0x12280] =	vst v63  }
0x7d: {  	_ =	swait.ge [sflag:s23], $0x4000  }
0x7e: {  	[sflag:s23] =	ssyncset.done $0x0  }
0x7f: {  	s1 =	rddreg [dreg:$0x11];
	[sflag:s23] =	ssyncadd.s32 $0xFFFFC000  }
0x80: {  	[hbm4b:s1+s2] =	stream.linear.scatter [tilespmem:s19], [sflag:$0x6], $0x4000, $0x38;
	[tilespmem:$0x12280] =	vst v63  }
0x81: {  	_ =	swait.ge [sflag:s11], $0x4000  }
0x82: {  	[sflag:s11] =	ssyncset.done $0x0  }
0x83: {  	s31 =	rddreg [dreg:$0x12];
	[sflag:s11] =	ssyncadd.s32 $0xFFFFC000  }
0x84: {  	[tilespmem:s2], [sflag:$0xA] =	stream.linear.gather [hbm4b:s31+s2], $0x80, $0x38;
	[tilespmem:$0x12280] =	vst v63  }
0x85: {  	_ =	swait.ge [sflag:s5], $0x80  }
0x86: {  	[sflag:s5] =	ssyncset.done $0x0  }
0x87: {  	[sflag:s5] =	ssyncadd.s32 $0xFFFFFF80  }
0x88: {  	[tilespmem:s26], [sflag:$0x1] =	stream.indirect.gather [hbm4b:s3+s20], $0x80, s2, s20, $0xb8;
	[tilespmem:$0x12280] =	vst v63  }
0x89: {  	_ =	swait.ge [sflag:s25], $0x4000  }
0x8a: {  	[sflag:s25] =	ssyncset.done $0x0  }
0x8b: {  	s1 =	rddreg [dreg:$0x13];
	[sflag:s25] =	ssyncadd.s32 $0xFFFFC000  }
0x8c: {  	[hbm4b:s1+s2] =	stream.linear.scatter [tilespmem:s17], [sflag:$0x7], $0x4000, $0x38;
	[tilespmem:$0x12280] =	vst v63  }
0x8d: {  	_ =	swait.ge [sflag:s13], $0x4000  }
0x8e: {  	[sflag:s13] =	ssyncset.done $0x0  }
0x8f: {  	s31 =	rddreg [dreg:$0x14];
	[sflag:s13] =	ssyncadd.s32 $0xFFFFC000  }
0x90: {  	[tilespmem:s20], [sflag:$0xA] =	stream.linear.gather [hbm4b:s31+s2], $0x80, $0x38;
	[tilespmem:$0x12280] =	vst v63  }
0x91: {  	_ =	swait.ge [sflag:s5], $0x80  }
0x92: {  	[sflag:s5] =	ssyncset.done $0x0  }
0x93: {  	[sflag:s5] =	ssyncadd.s32 $0xFFFFFF80  }
0x94: {  	[tilespmem:s19], [sflag:$0x2] =	stream.indirect.gather [hbm4b:s3+s20], $0x80, s20, s20, $0xb8;
	[tilespmem:$0x12280] =	vst v63  }
0x95: {  	_ =	swait.ge [sflag:s22], $0x4000  }
0x96: {  	[sflag:s22] =	ssyncset.done $0x0  }
0x97: {  	s1 =	rddreg [dreg:$0x15];
	[sflag:s22] =	ssyncadd.s32 $0xFFFFC000  }
0x98: {  	[hbm4b:s1+s2] =	stream.linear.scatter [tilespmem:s16], [sflag:$0x8], $0x4000, $0x38;
	[tilespmem:$0x12280] =	vst v63  }
0x99: {  	_ =	swait.ge [sflag:s12], $0x4000  }
0x9a: {  	[sflag:s12] =	ssyncset.done $0x0  }
0x9b: {  	[sflag:s12] =	ssyncadd.s32 $0xFFFFC000  }
0x9c: {  	[tilespmem:s29], [sflag:$0xA] =	stream.linear.gather [hbm4b:s18+s2], $0x80, $0x38;
	[tilespmem:$0x12280] =	vst v63  }
0x9d: {  	_ =	swait.ge [sflag:s5], $0x80  }
0x9e: {  	[sflag:s5] =	ssyncset.done $0x0  }
0x9f: {  	[sflag:s5] =	ssyncadd.s32 $0xFFFFFF80  }
0xa0: {  	[tilespmem:s17], [sflag:$0x3] =	stream.indirect.gather [hbm4b:s3+s20], $0x80, s29, s20, $0xb8;
	[tilespmem:$0x12280] =	vst v63  }
0xa1: {  	_ =	swait.ge [sflag:s28], $0x4000  }
0xa2: {  	[sflag:s28] =	ssyncset.done $0x0  }
0xa3: {  	[sflag:s28] =	ssyncadd.s32 $0xFFFFC000  }
0xa4: {  	[hbm4b:s15+s2] =	stream.linear.scatter [tilespmem:s26], [sflag:$0x5], $0x4000, $0x38;
	[tilespmem:$0x12280] =	vst v63  }
0xa5: {  	_ =	swait.ge [sflag:s10], $0x4000  }
0xa6: {  	[sflag:s10] =	ssyncset.done $0x0  }
0xa7: {  	[sflag:s10] =	ssyncadd.s32 $0xFFFFC000  }
0xa8: {  	[tilespmem:s24], [sflag:$0xA] =	stream.linear.gather [hbm4b:s14+s2], $0x80, $0x38;
	[tilespmem:$0x12280] =	vst v63  }
0xa9: {  	_ =	swait.ge [sflag:s5], $0x80  }
0xaa: {  	[sflag:s5] =	ssyncset.done $0x0  }
0xab: {  	[sflag:s5] =	ssyncadd.s32 $0xFFFFFF80  }
0xac: {  	[tilespmem:s16], [sflag:$0x4] =	stream.indirect.gather [hbm4b:s3+s20], $0x80, s24, s20, $0xb8;
	[tilespmem:$0x12280] =	vst v63  }
0xad: {  	_ =	swait.ge [sflag:s23], $0x4000  }
0xae: {  	[sflag:s23] =	ssyncset.done $0x0  }
0xaf: {  	[sflag:s23] =	ssyncadd.s32 $0xFFFFC000  }
0xb0: {  	[hbm4b:s9+s2] =	stream.linear.scatter [tilespmem:s19], [sflag:$0x6], $0x4000, $0x38;
	[tilespmem:$0x12280] =	vst v63  }
0xb1: {  	_ =	swait.ge [sflag:s25], $0x4000  }
0xb2: {  	[sflag:s25] =	ssyncset.done $0x0  }
0xb3: {  	[sflag:s25] =	ssyncadd.s32 $0xFFFFC000  }
0xb4: {  	[hbm4b:s7+s2] =	stream.linear.scatter [tilespmem:s17], [sflag:$0x7], $0x4000, $0x38;
	[tilespmem:$0x12280] =	vst v63  }
0xb5: {  	_ =	swait.ge [sflag:s22], $0x4000  }
0xb6: {  	[sflag:s22] =	ssyncset.done $0x0  }
0xb7: {  	[sflag:s22] =	ssyncadd.s32 $0xFFFFC000  }
0xb8: {  	[hbm4b:s6+s2] =	stream.linear.scatter [tilespmem:s16], [sflag:$0x8], $0x4000, $0x38;
	[tilespmem:$0x12280] =	vst v63  }
0xb9: {  	_ =	swait.ge [sflag:s21], $0x2000  }
0xba: {  	[sflag:s21] =	ssyncset.done $0x0  }
0xbb: {  	[sflag:s21] =	ssyncadd.s32 $0xFFFFE000  }
0xbc: {  	[hbm4b:s4+s2] =	stream.linear.scatter [tilespmem:s8], [sflag:$0xA], $0x2000, $0x38;
	[tilespmem:$0x12280] =	vst v63  }
0xbd: {  	_ =	swait.ge [sflag:s5], $0x2000  }
0xbe: {  	[sflag:s5] =	ssyncset.done $0x0  }
0xbf: {  	[sflag:s5] =	ssyncadd.s32 $0xFFFFE000  }
0xc0: {  	_ =	swait.ge [sflag:s11], $0x4000  }
0xc1: {  	[sflag:s11] =	ssyncset.done $0x0  }
0xc2: {  	[sflag:s11] =	ssyncadd.s32 $0xFFFFC000  }
0xc3: {  	_ =	swait.ge [sflag:s13], $0x4000  }
0xc4: {  	[sflag:s13] =	ssyncset.done $0x0  }
0xc5: {  	[sflag:s13] =	ssyncadd.s32 $0xFFFFC000  }
0xc6: {  	_ =	swait.ge [sflag:s12], $0x4000  }
0xc7: {  	s31 =	rddreg [dreg:$0x16]  }
0xc8: {  	p1 =	sne.s32 s31, $0x1  }
.Ltmp1:
0xc9: {  	_ = 	snop;
	(pc) =	sbr.rel @!p1 .LBB2_2-.Ltmp1, $4  }
0xca: {  	[sflag:s12] =	ssyncset.done $0x0  }
0xcb: {  	[sflag:s12] =	ssyncadd.s32 $0xFFFFC000  }
0xcc: {  	p0 =	por $0x1, $0x1;
	_ =	swait.ge [sflag:s10], $0x4000  }
0xcd: {  	s1 =	sadd.s32 $0xFFFFFFFF, s31;
	s0 =	rddreg [dreg:$0x3];
	[sflag:s10] =	ssyncset.done $0x0  }
.LBB2_3:
0xce: {  	[sflag:s10] =	ssyncadd.s32 $0xFFFFC000  }
0xcf: {  	[tilespmem:s30], [sflag:$0xA] =	stream.linear.gather [hbm4b:s0+s2], $0x40, $0x38;
	[tilespmem:$0x12280] =	vst v63  }
0xd0: {  	_ =	swait.ge [sflag:s5], $0x40  }
0xd1: {  	[sflag:s5] =	ssyncset.done $0x0  }
0xd2: {  	s31 =	simm.s32 $0x40;
	[sflag:s5] =	ssyncadd.s32 $0xFFFFFFC0  }
0xd3: {  	[tilespmem:s8], [sflag:$0x9] =	stream.indirect.gather [hbm4b:s3+s31], $0x80, s30, s31, $0xb8;
	[tilespmem:$0x12280] =	vst v63  }
0xd4: {  	s0 =	rddreg [dreg:$0x4]  }
0xd5: {  	[tilespmem:s2], [sflag:$0xA] =	stream.linear.gather [hbm4b:s0+s2], $0x80, $0x38;
	[tilespmem:$0x12280] =	vst v63  }
0xd6: {  	_ =	swait.ge [sflag:s5], $0x80  }
0xd7: {  	[sflag:s5] =	ssyncset.done $0x0  }
0xd8: {  	[sflag:s5] =	ssyncadd.s32 $0xFFFFFF80  }
0xd9: {  	[tilespmem:s26], [sflag:$0x1] =	stream.indirect.gather [hbm4b:s3+s20], $0x80, s2, s20, $0xb8;
	[tilespmem:$0x12280] =	vst v63  }
0xda: {  	s31 =	rddreg [dreg:$0x5]  }
0xdb: {  	[tilespmem:s20], [sflag:$0xA] =	stream.linear.gather [hbm4b:s31+s2], $0x80, $0x38;
	[tilespmem:$0x12280] =	vst v63  }
0xdc: {  	_ =	swait.ge [sflag:s5], $0x80  }
0xdd: {  	[sflag:s5] =	ssyncset.done $0x0  }
0xde: {  	[sflag:s5] =	ssyncadd.s32 $0xFFFFFF80  }
0xdf: {  	[tilespmem:s19], [sflag:$0x2] =	stream.indirect.gather [hbm4b:s3+s20], $0x80, s20, s20, $0xb8;
	[tilespmem:$0x12280] =	vst v63  }
0xe0: {  	s31 =	rddreg [dreg:$0x6]  }
0xe1: {  	[tilespmem:s29], [sflag:$0xA] =	stream.linear.gather [hbm4b:s31+s2], $0x80, $0x38;
	[tilespmem:$0x12280] =	vst v63  }
0xe2: {  	_ =	swait.ge [sflag:s5], $0x80  }
0xe3: {  	[sflag:s5] =	ssyncset.done $0x0  }
0xe4: {  	[sflag:s5] =	ssyncadd.s32 $0xFFFFFF80  }
0xe5: {  	[tilespmem:s17], [sflag:$0x3] =	stream.indirect.gather [hbm4b:s3+s20], $0x80, s29, s20, $0xb8;
	[tilespmem:$0x12280] =	vst v63  }
0xe6: {  	_ =	swait.ge [sflag:s28], $0x4000  }
0xe7: {  	[sflag:s28] =	ssyncset.done $0x0  }
0xe8: {  	s0 =	rddreg [dreg:$0x7];
	[sflag:s28] =	ssyncadd.s32 $0xFFFFC000  }
0xe9: {  	[hbm4b:s0+s2] =	stream.linear.scatter [tilespmem:s26], [sflag:$0x5], $0x4000, $0x38;
	[tilespmem:$0x12280] =	vst v63  }
0xea: {  	s31 =	rddreg [dreg:$0x8]  }
0xeb: {  	[tilespmem:s24], [sflag:$0xA] =	stream.linear.gather [hbm4b:s31+s2], $0x80, $0x38;
	[tilespmem:$0x12280] =	vst v63  }
0xec: {  	_ =	swait.ge [sflag:s5], $0x80  }
0xed: {  	[sflag:s5] =	ssyncset.done $0x0  }
0xee: {  	[sflag:s5] =	ssyncadd.s32 $0xFFFFFF80  }
0xef: {  	[tilespmem:s16], [sflag:$0x4] =	stream.indirect.gather [hbm4b:s3+s20], $0x80, s24, s20, $0xb8;
	[tilespmem:$0x12280] =	vst v63  }
0xf0: {  	_ =	swait.ge [sflag:s23], $0x4000  }
0xf1: {  	[sflag:s23] =	ssyncset.done $0x0  }
0xf2: {  	s31 =	rddreg [dreg:$0x9];
	[sflag:s23] =	ssyncadd.s32 $0xFFFFC000  }
0xf3: {  	[hbm4b:s31+s2] =	stream.linear.scatter [tilespmem:s19], [sflag:$0x6], $0x4000, $0x38;
	[tilespmem:$0x12280] =	vst v63  }
0xf4: {  	_ =	swait.ge [sflag:s11], $0x4000  }
0xf5: {  	[sflag:s11] =	ssyncset.done $0x0  }
0xf6: {  	s31 =	rddreg [dreg:$0xa];
	[sflag:s11] =	ssyncadd.s32 $0xFFFFC000  }
0xf7: {  	[tilespmem:s2], [sflag:$0xA] =	stream.linear.gather [hbm4b:s31+s2], $0x80, $0x38;
	[tilespmem:$0x12280] =	vst v63  }
0xf8: {  	_ =	swait.ge [sflag:s5], $0x80  }
0xf9: {  	[sflag:s5] =	ssyncset.done $0x0  }
0xfa: {  	[sflag:s5] =	ssyncadd.s32 $0xFFFFFF80  }
0xfb: {  	[tilespmem:s26], [sflag:$0x1] =	stream.indirect.gather [hbm4b:s3+s20], $0x80, s2, s20, $0xb8;
	[tilespmem:$0x12280] =	vst v63  }
0xfc: {  	_ =	swait.ge [sflag:s25], $0x4000  }
0xfd: {  	[sflag:s25] =	ssyncset.done $0x0  }
0xfe: {  	s31 =	rddreg [dreg:$0xb];
	[sflag:s25] =	ssyncadd.s32 $0xFFFFC000  }
0xff: {  	[hbm4b:s31+s2] =	stream.linear.scatter [tilespmem:s17], [sflag:$0x7], $0x4000, $0x38;
	[tilespmem:$0x12280] =	vst v63  }
0x100: {  	_ =	swait.ge [sflag:s13], $0x4000  }
0x101: {  	[sflag:s13] =	ssyncset.done $0x0  }
0x102: {  	s31 =	rddreg [dreg:$0xc];
	[sflag:s13] =	ssyncadd.s32 $0xFFFFC000  }
0x103: {  	[tilespmem:s20], [sflag:$0xA] =	stream.linear.gather [hbm4b:s31+s2], $0x80, $0x38;
	[tilespmem:$0x12280] =	vst v63  }
0x104: {  	_ =	swait.ge [sflag:s5], $0x80  }
0x105: {  	[sflag:s5] =	ssyncset.done $0x0  }
0x106: {  	[sflag:s5] =	ssyncadd.s32 $0xFFFFFF80  }
0x107: {  	[tilespmem:s19], [sflag:$0x2] =	stream.indirect.gather [hbm4b:s3+s20], $0x80, s20, s20, $0xb8;
	[tilespmem:$0x12280] =	vst v63  }
0x108: {  	_ =	swait.ge [sflag:s22], $0x4000  }
0x109: {  	[sflag:s22] =	ssyncset.done $0x0  }
0x10a: {  	s31 =	rddreg [dreg:$0xd];
	[sflag:s22] =	ssyncadd.s32 $0xFFFFC000  }
0x10b: {  	[hbm4b:s31+s2] =	stream.linear.scatter [tilespmem:s16], [sflag:$0x8], $0x4000, $0x38;
	[tilespmem:$0x12280] =	vst v63  }
0x10c: {  	_ =	swait.ge [sflag:s12], $0x4000  }
0x10d: {  	[sflag:s12] =	ssyncset.done $0x0  }
0x10e: {  	s31 =	rddreg [dreg:$0xe];
	[sflag:s12] =	ssyncadd.s32 $0xFFFFC000  }
0x10f: {  	[tilespmem:s29], [sflag:$0xA] =	stream.linear.gather [hbm4b:s31+s2], $0x80, $0x38;
	[tilespmem:$0x12280] =	vst v63  }
0x110: {  	_ =	swait.ge [sflag:s5], $0x80  }
0x111: {  	[sflag:s5] =	ssyncset.done $0x0  }
0x112: {  	[sflag:s5] =	ssyncadd.s32 $0xFFFFFF80  }
0x113: {  	[tilespmem:s17], [sflag:$0x3] =	stream.indirect.gather [hbm4b:s3+s20], $0x80, s29, s20, $0xb8;
	[tilespmem:$0x12280] =	vst v63  }
0x114: {  	_ =	swait.ge [sflag:s28], $0x4000  }
0x115: {  	[sflag:s28] =	ssyncset.done $0x0  }
0x116: {  	s31 =	rddreg [dreg:$0xf];
	[sflag:s28] =	ssyncadd.s32 $0xFFFFC000  }
0x117: {  	[hbm4b:s31+s2] =	stream.linear.scatter [tilespmem:s26], [sflag:$0x5], $0x4000, $0x38;
	[tilespmem:$0x12280] =	vst v63  }
0x118: {  	_ =	swait.ge [sflag:s10], $0x4000  }
0x119: {  	[sflag:s10] =	ssyncset.done $0x0  }
0x11a: {  	s31 =	rddreg [dreg:$0x10];
	[sflag:s10] =	ssyncadd.s32 $0xFFFFC000  }
0x11b: {  	[tilespmem:s24], [sflag:$0xA] =	stream.linear.gather [hbm4b:s31+s2], $0x80, $0x38;
	[tilespmem:$0x12280] =	vst v63  }
0x11c: {  	_ =	swait.ge [sflag:s5], $0x80  }
0x11d: {  	[sflag:s5] =	ssyncset.done $0x0  }
0x11e: {  	[sflag:s5] =	ssyncadd.s32 $0xFFFFFF80  }
0x11f: {  	[tilespmem:s16], [sflag:$0x4] =	stream.indirect.gather [hbm4b:s3+s20], $0x80, s24, s20, $0xb8;
	[tilespmem:$0x12280] =	vst v63  }
0x120: {  	_ =	swait.ge [sflag:s23], $0x4000  }
0x121: {  	[sflag:s23] =	ssyncset.done $0x0  }
0x122: {  	s31 =	rddreg [dreg:$0x11];
	[sflag:s23] =	ssyncadd.s32 $0xFFFFC000  }
0x123: {  	[hbm4b:s31+s2] =	stream.linear.scatter [tilespmem:s19], [sflag:$0x6], $0x4000, $0x38;
	[tilespmem:$0x12280] =	vst v63  }
0x124: {  	_ =	swait.ge [sflag:s11], $0x4000  }
0x125: {  	[sflag:s11] =	ssyncset.done $0x0  }
0x126: {  	s31 =	rddreg [dreg:$0x12];
	[sflag:s11] =	ssyncadd.s32 $0xFFFFC000  }
0x127: {  	[tilespmem:s2], [sflag:$0xA] =	stream.linear.gather [hbm4b:s31+s2], $0x80, $0x38;
	[tilespmem:$0x12280] =	vst v63  }
0x128: {  	_ =	swait.ge [sflag:s5], $0x80  }
0x129: {  	[sflag:s5] =	ssyncset.done $0x0  }
0x12a: {  	[sflag:s5] =	ssyncadd.s32 $0xFFFFFF80  }
0x12b: {  	[tilespmem:s26], [sflag:$0x1] =	stream.indirect.gather [hbm4b:s3+s20], $0x80, s2, s20, $0xb8;
	[tilespmem:$0x12280] =	vst v63  }
0x12c: {  	_ =	swait.ge [sflag:s25], $0x4000  }
0x12d: {  	[sflag:s25] =	ssyncset.done $0x0  }
0x12e: {  	s31 =	rddreg [dreg:$0x13];
	[sflag:s25] =	ssyncadd.s32 $0xFFFFC000  }
0x12f: {  	[hbm4b:s31+s2] =	stream.linear.scatter [tilespmem:s17], [sflag:$0x7], $0x4000, $0x38;
	[tilespmem:$0x12280] =	vst v63  }
0x130: {  	_ =	swait.ge [sflag:s13], $0x4000  }
0x131: {  	[sflag:s13] =	ssyncset.done $0x0  }
0x132: {  	s31 =	rddreg [dreg:$0x14];
	[sflag:s13] =	ssyncadd.s32 $0xFFFFC000  }
0x133: {  	[tilespmem:s20], [sflag:$0xA] =	stream.linear.gather [hbm4b:s31+s2], $0x80, $0x38;
	[tilespmem:$0x12280] =	vst v63  }
0x134: {  	_ =	swait.ge [sflag:s5], $0x80  }
0x135: {  	[sflag:s5] =	ssyncset.done $0x0  }
0x136: {  	[sflag:s5] =	ssyncadd.s32 $0xFFFFFF80  }
0x137: {  	[tilespmem:s19], [sflag:$0x2] =	stream.indirect.gather [hbm4b:s3+s20], $0x80, s20, s20, $0xb8;
	[tilespmem:$0x12280] =	vst v63  }
0x138: {  	_ =	swait.ge [sflag:s22], $0x4000  }
0x139: {  	[sflag:s22] =	ssyncset.done $0x0  }
0x13a: {  	s31 =	rddreg [dreg:$0x15];
	[sflag:s22] =	ssyncadd.s32 $0xFFFFC000  }
0x13b: {  	[hbm4b:s31+s2] =	stream.linear.scatter [tilespmem:s16], [sflag:$0x8], $0x4000, $0x38;
	[tilespmem:$0x12280] =	vst v63  }
0x13c: {  	_ =	swait.ge [sflag:s12], $0x4000  }
0x13d: {  	[sflag:s12] =	ssyncset.done $0x0  }
0x13e: {  	[sflag:s12] =	ssyncadd.s32 $0xFFFFC000  }
0x13f: {  	[tilespmem:s29], [sflag:$0xA] =	stream.linear.gather [hbm4b:s18+s2], $0x80, $0x38;
	[tilespmem:$0x12280] =	vst v63  }
0x140: {  	_ =	swait.ge [sflag:s5], $0x80  }
0x141: {  	[sflag:s5] =	ssyncset.done $0x0  }
0x142: {  	[sflag:s5] =	ssyncadd.s32 $0xFFFFFF80  }
0x143: {  	[tilespmem:s17], [sflag:$0x3] =	stream.indirect.gather [hbm4b:s3+s20], $0x80, s29, s20, $0xb8;
	[tilespmem:$0x12280] =	vst v63  }
0x144: {  	_ =	swait.ge [sflag:s28], $0x4000  }
0x145: {  	[sflag:s28] =	ssyncset.done $0x0  }
0x146: {  	[sflag:s28] =	ssyncadd.s32 $0xFFFFC000  }
0x147: {  	[hbm4b:s15+s2] =	stream.linear.scatter [tilespmem:s26], [sflag:$0x5], $0x4000, $0x38;
	[tilespmem:$0x12280] =	vst v63  }
0x148: {  	_ =	swait.ge [sflag:s10], $0x4000  }
0x149: {  	[sflag:s10] =	ssyncset.done $0x0  }
0x14a: {  	[sflag:s10] =	ssyncadd.s32 $0xFFFFC000  }
0x14b: {  	[tilespmem:s24], [sflag:$0xA] =	stream.linear.gather [hbm4b:s14+s2], $0x80, $0x38;
	[tilespmem:$0x12280] =	vst v63  }
0x14c: {  	_ =	swait.ge [sflag:s5], $0x80  }
0x14d: {  	[sflag:s5] =	ssyncset.done $0x0  }
0x14e: {  	[sflag:s5] =	ssyncadd.s32 $0xFFFFFF80  }
0x14f: {  	[tilespmem:s16], [sflag:$0x4] =	stream.indirect.gather [hbm4b:s3+s20], $0x80, s24, s20, $0xb8;
	[tilespmem:$0x12280] =	vst v63  }
0x150: {  	_ =	swait.ge [sflag:s23], $0x4000  }
0x151: {  	[sflag:s23] =	ssyncset.done $0x0  }
0x152: {  	[sflag:s23] =	ssyncadd.s32 $0xFFFFC000  }
0x153: {  	[hbm4b:s9+s2] =	stream.linear.scatter [tilespmem:s19], [sflag:$0x6], $0x4000, $0x38;
	[tilespmem:$0x12280] =	vst v63  }
0x154: {  	_ =	swait.ge [sflag:s25], $0x4000  }
0x155: {  	[sflag:s25] =	ssyncset.done $0x0  }
0x156: {  	[sflag:s25] =	ssyncadd.s32 $0xFFFFC000  }
0x157: {  	[hbm4b:s7+s2] =	stream.linear.scatter [tilespmem:s17], [sflag:$0x7], $0x4000, $0x38;
	[tilespmem:$0x12280] =	vst v63  }
0x158: {  	_ =	swait.ge [sflag:s22], $0x4000  }
0x159: {  	[sflag:s22] =	ssyncset.done $0x0  }
0x15a: {  	[sflag:s22] =	ssyncadd.s32 $0xFFFFC000  }
0x15b: {  	[hbm4b:s6+s2] =	stream.linear.scatter [tilespmem:s16], [sflag:$0x8], $0x4000, $0x38;
	[tilespmem:$0x12280] =	vst v63  }
0x15c: {  	_ =	swait.ge [sflag:s21], $0x2000  }
0x15d: {  	[sflag:s21] =	ssyncset.done $0x0  }
0x15e: {  	[sflag:s21] =	ssyncadd.s32 $0xFFFFE000  }
0x15f: {  	[hbm4b:s4+s2] =	stream.linear.scatter [tilespmem:s8], [sflag:$0xA], $0x2000, $0x38;
	[tilespmem:$0x12280] =	vst v63  }
0x160: {  	_ =	swait.ge [sflag:s5], $0x2000  }
0x161: {  	[sflag:s5] =	ssyncset.done $0x0  }
0x162: {  	[sflag:s5] =	ssyncadd.s32 $0xFFFFE000  }
0x163: {  	_ =	swait.ge [sflag:s11], $0x4000  }
0x164: {  	[sflag:s11] =	ssyncset.done $0x0  }
0x165: {  	[sflag:s11] =	ssyncadd.s32 $0xFFFFC000  }
0x166: {  	_ =	swait.ge [sflag:s13], $0x4000  }
0x167: {  	[sflag:s13] =	ssyncset.done $0x0  }
0x168: {  	p1 =	sne.s32 s1, $0x1;
	[sflag:s13] =	ssyncadd.s32 $0xFFFFC000  }
.Ltmp2:
0x169: {  	_ =	swait.ge [sflag:s12], $0x4000;
	(pc) =	sbr.rel @p1 .LBB2_3-.Ltmp2, $4  }
0x16a: {  	[sflag:s12] =	ssyncset.done $0x0  }
0x16b: {  	[sflag:s12] =	ssyncadd.s32 $0xFFFFC000  }
0x16c: {  	_ =	swait.ge [sflag:s10], $0x4000  }
0x16d: {  	s1 =	sadd.s32 $0xFFFFFFFF, s1;
	s0 =	rddreg [dreg:$0x3];
	[sflag:s10] =	ssyncset.done $0x0  }
0x16e: {  	s31 =	stileid.u32;
	s1 =	simm.s32 $0x40  }
.LBB2_5:
0x16f: {  	[sflag:s10] =	ssyncadd.s32 @p0 $0xFFFFC000  }
0x170: {  	[tilespmem:s30], [sflag:$0xA] =	stream.linear.gather [hbm4b:s0+s2], $0x40, $0x38;
	[tilespmem:$0x12280] =	vst v63  }
0x171: {  	_ =	swait.ge [sflag:s5], $0x40  }
0x172: {  	[sflag:s5] =	ssyncset.done $0x0  }
0x173: {  	[sflag:s5] =	ssyncadd.s32 $0xFFFFFFC0  }
0x174: {  	[tilespmem:s8], [sflag:$0x9] =	stream.indirect.gather [hbm4b:s3+s1], $0x80, s30, s1, $0xb8;
	[tilespmem:$0x12280] =	vst v63  }
0x175: {  	s0 =	rddreg [dreg:$0x4]  }
0x176: {  	[tilespmem:s2], [sflag:$0xA] =	stream.linear.gather [hbm4b:s0+s2], $0x80, $0x38;
	[tilespmem:$0x12280] =	vst v63  }
0x177: {  	_ =	swait.ge [sflag:s5], $0x80  }
0x178: {  	[sflag:s5] =	ssyncset.done $0x0  }
0x179: {  	[sflag:s5] =	ssyncadd.s32 $0xFFFFFF80  }
0x17a: {  	[tilespmem:s26], [sflag:$0x1] =	stream.indirect.gather [hbm4b:s3+s20], $0x80, s2, s20, $0xb8;
	[tilespmem:$0x12280] =	vst v63  }
0x17b: {  	s1 =	rddreg [dreg:$0x5]  }
0x17c: {  	[tilespmem:s20], [sflag:$0xA] =	stream.linear.gather [hbm4b:s1+s2], $0x80, $0x38;
	[tilespmem:$0x12280] =	vst v63  }
0x17d: {  	_ =	swait.ge [sflag:s5], $0x80  }
0x17e: {  	[sflag:s5] =	ssyncset.done $0x0  }
0x17f: {  	[sflag:s5] =	ssyncadd.s32 $0xFFFFFF80  }
0x180: {  	[tilespmem:s19], [sflag:$0x2] =	stream.indirect.gather [hbm4b:s3+s20], $0x80, s20, s20, $0xb8;
	[tilespmem:$0x12280] =	vst v63  }
0x181: {  	s30 =	rddreg [dreg:$0x6]  }
0x182: {  	[tilespmem:s29], [sflag:$0xA] =	stream.linear.gather [hbm4b:s30+s2], $0x80, $0x38;
	[tilespmem:$0x12280] =	vst v63  }
0x183: {  	_ =	swait.ge [sflag:s5], $0x80  }
0x184: {  	[sflag:s5] =	ssyncset.done $0x0  }
0x185: {  	[sflag:s5] =	ssyncadd.s32 $0xFFFFFF80  }
0x186: {  	[tilespmem:s17], [sflag:$0x3] =	stream.indirect.gather [hbm4b:s3+s20], $0x80, s29, s20, $0xb8;
	[tilespmem:$0x12280] =	vst v63  }
0x187: {  	_ =	swait.ge [sflag:s28], $0x4000  }
0x188: {  	[sflag:s28] =	ssyncset.done $0x0  }
0x189: {  	s1 =	rddreg [dreg:$0x7];
	[sflag:s28] =	ssyncadd.s32 $0xFFFFC000  }
0x18a: {  	[hbm4b:s1+s2] =	stream.linear.scatter [tilespmem:s26], [sflag:$0x5], $0x4000, $0x38;
	[tilespmem:$0x12280] =	vst v63  }
0x18b: {  	s30 =	rddreg [dreg:$0x8]  }
0x18c: {  	[tilespmem:s24], [sflag:$0xA] =	stream.linear.gather [hbm4b:s30+s2], $0x80, $0x38;
	[tilespmem:$0x12280] =	vst v63  }
0x18d: {  	_ =	swait.ge [sflag:s5], $0x80  }
0x18e: {  	[sflag:s5] =	ssyncset.done $0x0  }
0x18f: {  	[sflag:s5] =	ssyncadd.s32 $0xFFFFFF80  }
0x190: {  	[tilespmem:s16], [sflag:$0x4] =	stream.indirect.gather [hbm4b:s3+s20], $0x80, s24, s20, $0xb8;
	[tilespmem:$0x12280] =	vst v63  }
0x191: {  	_ =	swait.ge [sflag:s23], $0x4000  }
0x192: {  	[sflag:s23] =	ssyncset.done $0x0  }
0x193: {  	s30 =	rddreg [dreg:$0x9];
	[sflag:s23] =	ssyncadd.s32 $0xFFFFC000  }
0x194: {  	[hbm4b:s30+s2] =	stream.linear.scatter [tilespmem:s19], [sflag:$0x6], $0x4000, $0x38;
	[tilespmem:$0x12280] =	vst v63  }
0x195: {  	_ =	swait.ge [sflag:s11], $0x4000  }
0x196: {  	[sflag:s11] =	ssyncset.done $0x0  }
0x197: {  	s1 =	rddreg [dreg:$0xa];
	[sflag:s11] =	ssyncadd.s32 $0xFFFFC000  }
0x198: {  	[tilespmem:s2], [sflag:$0xA] =	stream.linear.gather [hbm4b:s1+s2], $0x80, $0x38;
	[tilespmem:$0x12280] =	vst v63  }
0x199: {  	_ =	swait.ge [sflag:s5], $0x80  }
0x19a: {  	[sflag:s5] =	ssyncset.done $0x0  }
0x19b: {  	[sflag:s5] =	ssyncadd.s32 $0xFFFFFF80  }
0x19c: {  	[tilespmem:s26], [sflag:$0x1] =	stream.indirect.gather [hbm4b:s3+s20], $0x80, s2, s20, $0xb8;
	[tilespmem:$0x12280] =	vst v63  }
0x19d: {  	_ =	swait.ge [sflag:s25], $0x4000  }
0x19e: {  	[sflag:s25] =	ssyncset.done $0x0  }
0x19f: {  	s30 =	rddreg [dreg:$0xb];
	[sflag:s25] =	ssyncadd.s32 $0xFFFFC000  }
0x1a0: {  	[hbm4b:s30+s2] =	stream.linear.scatter [tilespmem:s17], [sflag:$0x7], $0x4000, $0x38;
	[tilespmem:$0x12280] =	vst v63  }
0x1a1: {  	_ =	swait.ge [sflag:s13], $0x4000  }
0x1a2: {  	[sflag:s13] =	ssyncset.done $0x0  }
0x1a3: {  	s1 =	rddreg [dreg:$0xc];
	[sflag:s13] =	ssyncadd.s32 $0xFFFFC000  }
0x1a4: {  	[tilespmem:s20], [sflag:$0xA] =	stream.linear.gather [hbm4b:s1+s2], $0x80, $0x38;
	[tilespmem:$0x12280] =	vst v63  }
0x1a5: {  	_ =	swait.ge [sflag:s5], $0x80  }
0x1a6: {  	[sflag:s5] =	ssyncset.done $0x0  }
0x1a7: {  	[sflag:s5] =	ssyncadd.s32 $0xFFFFFF80  }
0x1a8: {  	[tilespmem:s19], [sflag:$0x2] =	stream.indirect.gather [hbm4b:s3+s20], $0x80, s20, s20, $0xb8;
	[tilespmem:$0x12280] =	vst v63  }
0x1a9: {  	_ =	swait.ge [sflag:s22], $0x4000  }
0x1aa: {  	[sflag:s22] =	ssyncset.done $0x0  }
0x1ab: {  	s30 =	rddreg [dreg:$0xd];
	[sflag:s22] =	ssyncadd.s32 $0xFFFFC000  }
0x1ac: {  	[hbm4b:s30+s2] =	stream.linear.scatter [tilespmem:s16], [sflag:$0x8], $0x4000, $0x38;
	[tilespmem:$0x12280] =	vst v63  }
0x1ad: {  	_ =	swait.ge [sflag:s12], $0x4000  }
0x1ae: {  	[sflag:s12] =	ssyncset.done $0x0  }
0x1af: {  	s1 =	rddreg [dreg:$0xe];
	[sflag:s12] =	ssyncadd.s32 $0xFFFFC000  }
0x1b0: {  	[tilespmem:s29], [sflag:$0xA] =	stream.linear.gather [hbm4b:s1+s2], $0x80, $0x38;
	[tilespmem:$0x12280] =	vst v63  }
0x1b1: {  	_ =	swait.ge [sflag:s5], $0x80  }
0x1b2: {  	[sflag:s5] =	ssyncset.done $0x0  }
0x1b3: {  	[sflag:s5] =	ssyncadd.s32 $0xFFFFFF80  }
0x1b4: {  	[tilespmem:s17], [sflag:$0x3] =	stream.indirect.gather [hbm4b:s3+s20], $0x80, s29, s20, $0xb8;
	[tilespmem:$0x12280] =	vst v63  }
0x1b5: {  	_ =	swait.ge [sflag:s28], $0x4000  }
0x1b6: {  	[sflag:s28] =	ssyncset.done $0x0  }
0x1b7: {  	s30 =	rddreg [dreg:$0xf];
	[sflag:s28] =	ssyncadd.s32 $0xFFFFC000  }
0x1b8: {  	[hbm4b:s30+s2] =	stream.linear.scatter [tilespmem:s26], [sflag:$0x5], $0x4000, $0x38;
	[tilespmem:$0x12280] =	vst v63  }
0x1b9: {  	_ =	swait.ge [sflag:s10], $0x4000  }
0x1ba: {  	[sflag:s10] =	ssyncset.done $0x0  }
0x1bb: {  	s1 =	rddreg [dreg:$0x10];
	[sflag:s10] =	ssyncadd.s32 $0xFFFFC000  }
0x1bc: {  	[tilespmem:s24], [sflag:$0xA] =	stream.linear.gather [hbm4b:s1+s2], $0x80, $0x38;
	[tilespmem:$0x12280] =	vst v63  }
0x1bd: {  	_ =	swait.ge [sflag:s5], $0x80  }
0x1be: {  	[sflag:s5] =	ssyncset.done $0x0  }
0x1bf: {  	[sflag:s5] =	ssyncadd.s32 $0xFFFFFF80  }
0x1c0: {  	[tilespmem:s16], [sflag:$0x4] =	stream.indirect.gather [hbm4b:s3+s20], $0x80, s24, s20, $0xb8;
	[tilespmem:$0x12280] =	vst v63  }
0x1c1: {  	_ =	swait.ge [sflag:s23], $0x4000  }
0x1c2: {  	[sflag:s23] =	ssyncset.done $0x0  }
0x1c3: {  	s30 =	rddreg [dreg:$0x11];
	[sflag:s23] =	ssyncadd.s32 $0xFFFFC000  }
0x1c4: {  	[hbm4b:s30+s2] =	stream.linear.scatter [tilespmem:s19], [sflag:$0x6], $0x4000, $0x38;
	[tilespmem:$0x12280] =	vst v63  }
0x1c5: {  	_ =	swait.ge [sflag:s11], $0x4000  }
0x1c6: {  	[sflag:s11] =	ssyncset.done $0x0  }
0x1c7: {  	s1 =	rddreg [dreg:$0x12];
	[sflag:s11] =	ssyncadd.s32 $0xFFFFC000  }
0x1c8: {  	[tilespmem:s2], [sflag:$0xA] =	stream.linear.gather [hbm4b:s1+s2], $0x80, $0x38;
	[tilespmem:$0x12280] =	vst v63  }
0x1c9: {  	_ =	swait.ge [sflag:s5], $0x80  }
0x1ca: {  	[sflag:s5] =	ssyncset.done $0x0  }
0x1cb: {  	[sflag:s5] =	ssyncadd.s32 $0xFFFFFF80  }
0x1cc: {  	[tilespmem:s26], [sflag:$0x1] =	stream.indirect.gather [hbm4b:s3+s20], $0x80, s2, s20, $0xb8;
	[tilespmem:$0x12280] =	vst v63  }
0x1cd: {  	_ =	swait.ge [sflag:s25], $0x4000  }
0x1ce: {  	[sflag:s25] =	ssyncset.done $0x0  }
0x1cf: {  	s30 =	rddreg [dreg:$0x13];
	[sflag:s25] =	ssyncadd.s32 $0xFFFFC000  }
0x1d0: {  	[hbm4b:s30+s2] =	stream.linear.scatter [tilespmem:s17], [sflag:$0x7], $0x4000, $0x38;
	[tilespmem:$0x12280] =	vst v63  }
0x1d1: {  	_ =	swait.ge [sflag:s13], $0x4000  }
0x1d2: {  	[sflag:s13] =	ssyncset.done $0x0  }
0x1d3: {  	s1 =	rddreg [dreg:$0x14];
	[sflag:s13] =	ssyncadd.s32 $0xFFFFC000  }
0x1d4: {  	[tilespmem:s20], [sflag:$0xA] =	stream.linear.gather [hbm4b:s1+s2], $0x80, $0x38;
	[tilespmem:$0x12280] =	vst v63  }
0x1d5: {  	_ =	swait.ge [sflag:s5], $0x80  }
0x1d6: {  	[sflag:s5] =	ssyncset.done $0x0  }
0x1d7: {  	[sflag:s5] =	ssyncadd.s32 $0xFFFFFF80  }
0x1d8: {  	[tilespmem:s19], [sflag:$0x2] =	stream.indirect.gather [hbm4b:s3+s20], $0x80, s20, s20, $0xb8;
	[tilespmem:$0x12280] =	vst v63  }
0x1d9: {  	_ =	swait.ge [sflag:s22], $0x4000  }
0x1da: {  	[sflag:s22] =	ssyncset.done $0x0  }
0x1db: {  	s30 =	rddreg [dreg:$0x15];
	[sflag:s22] =	ssyncadd.s32 $0xFFFFC000  }
0x1dc: {  	[hbm4b:s30+s2] =	stream.linear.scatter [tilespmem:s16], [sflag:$0x8], $0x4000, $0x38;
	[tilespmem:$0x12280] =	vst v63  }
0x1dd: {  	_ =	swait.ge [sflag:s12], $0x4000  }
0x1de: {  	[sflag:s12] =	ssyncset.done $0x0  }
0x1df: {  	[sflag:s12] =	ssyncadd.s32 $0xFFFFC000  }
0x1e0: {  	[tilespmem:s29], [sflag:$0xA] =	stream.linear.gather [hbm4b:s18+s2], $0x80, $0x38;
	[tilespmem:$0x12280] =	vst v63  }
0x1e1: {  	_ =	swait.ge [sflag:s5], $0x80  }
0x1e2: {  	[sflag:s5] =	ssyncset.done $0x0  }
0x1e3: {  	[sflag:s5] =	ssyncadd.s32 $0xFFFFFF80  }
0x1e4: {  	[tilespmem:s17], [sflag:$0x3] =	stream.indirect.gather [hbm4b:s3+s20], $0x80, s29, s20, $0xb8;
	[tilespmem:$0x12280] =	vst v63  }
0x1e5: {  	_ =	swait.ge [sflag:s28], $0x4000  }
0x1e6: {  	[sflag:s28] =	ssyncset.done $0x0  }
0x1e7: {  	[sflag:s28] =	ssyncadd.s32 $0xFFFFC000  }
0x1e8: {  	[hbm4b:s15+s2] =	stream.linear.scatter [tilespmem:s26], [sflag:$0x5], $0x4000, $0x38;
	[tilespmem:$0x12280] =	vst v63  }
0x1e9: {  	_ =	swait.ge [sflag:s10], $0x4000  }
0x1ea: {  	[sflag:s10] =	ssyncset.done $0x0  }
0x1eb: {  	[sflag:s10] =	ssyncadd.s32 $0xFFFFC000  }
0x1ec: {  	[tilespmem:s24], [sflag:$0xA] =	stream.linear.gather [hbm4b:s14+s2], $0x80, $0x38;
	[tilespmem:$0x12280] =	vst v63  }
0x1ed: {  	_ =	swait.ge [sflag:s5], $0x80  }
0x1ee: {  	[sflag:s5] =	ssyncset.done $0x0  }
0x1ef: {  	[sflag:s5] =	ssyncadd.s32 $0xFFFFFF80  }
0x1f0: {  	[tilespmem:s16], [sflag:$0x4] =	stream.indirect.gather [hbm4b:s3+s20], $0x80, s24, s20, $0xb8;
	[tilespmem:$0x12280] =	vst v63  }
0x1f1: {  	_ =	swait.ge [sflag:s23], $0x4000  }
0x1f2: {  	[sflag:s23] =	ssyncset.done $0x0  }
0x1f3: {  	[sflag:s23] =	ssyncadd.s32 $0xFFFFC000  }
0x1f4: {  	[hbm4b:s9+s2] =	stream.linear.scatter [tilespmem:s19], [sflag:$0x6], $0x4000, $0x38;
	[tilespmem:$0x12280] =	vst v63  }
0x1f5: {  	_ =	swait.ge [sflag:s25], $0x4000  }
0x1f6: {  	[sflag:s25] =	ssyncset.done $0x0  }
0x1f7: {  	[sflag:s25] =	ssyncadd.s32 $0xFFFFC000  }
0x1f8: {  	[hbm4b:s7+s2] =	stream.linear.scatter [tilespmem:s17], [sflag:$0x7], $0x4000, $0x38;
	[tilespmem:$0x12280] =	vst v63  }
0x1f9: {  	_ =	swait.ge [sflag:s22], $0x4000  }
0x1fa: {  	[sflag:s22] =	ssyncset.done $0x0  }
0x1fb: {  	[sflag:s22] =	ssyncadd.s32 $0xFFFFC000  }
0x1fc: {  	[hbm4b:s6+s2] =	stream.linear.scatter [tilespmem:s16], [sflag:$0x8], $0x4000, $0x38;
	[tilespmem:$0x12280] =	vst v63  }
0x1fd: {  	_ =	swait.ge [sflag:s21], $0x2000  }
0x1fe: {  	[sflag:s21] =	ssyncset.done $0x0  }
0x1ff: {  	[sflag:s21] =	ssyncadd.s32 $0xFFFFE000  }
0x200: {  	[hbm4b:s4+s2] =	stream.linear.scatter [tilespmem:s8], [sflag:$0xA], $0x2000, $0x38;
	[tilespmem:$0x12280] =	vst v63  }
0x201: {  	_ =	swait.ge [sflag:s5], $0x2000  }
0x202: {  	[sflag:s5] =	ssyncset.done $0x0  }
0x203: {  	[sflag:s5] =	ssyncadd.s32 $0xFFFFE000  }
0x204: {  	_ =	swait.ge [sflag:s11], $0x4000  }
0x205: {  	[sflag:s11] =	ssyncset.done $0x0  }
0x206: {  	[sflag:s11] =	ssyncadd.s32 $0xFFFFC000  }
0x207: {  	_ =	swait.ge [sflag:s13], $0x4000  }
0x208: {  	[sflag:s13] =	ssyncset.done $0x0  }
0x209: {  	[sflag:s13] =	ssyncadd.s32 $0xFFFFC000  }
0x20a: {  	_ =	swait.ge [sflag:s12], $0x4000  }
0x20b: {  	[sflag:s12] =	ssyncset.done $0x0  }
0x20c: {  	[sflag:s12] =	ssyncadd.s32 $0xFFFFC000  }
0x20d: {  	_ =	swait.ge [sflag:s10], $0x4000  }
0x20e: {  	[sflag:s10] =	ssyncset.done $0x0  }
0x20f: {  	[sflag:s10] =	ssyncadd.s32 $0xFFFFC000  }
0x210: {  	_ =	sfence.sel $0x180000  }
0x211: {  	[bflag:$0x0] =	sbarrier.arrive $0xFFFF  }
0x212: {  	_ =	strace $0x90000047  }
0x213: {  	[bflag:$0x2] =	sbarrier.arrive $0xFFFF  }
0x214: {  	p0 =	sne.s32 s31, $0x0;
	s0 =	rddreg [dreg:$0x2]  }
0x215: {  	s0 =	sadd.s32 @!p0 $0x100000, s0  }
0x216: {  	[sflag:s0] =	ssyncadd.tile.s32 @!p0 $0x1;
	_ =	shalt  }
.LBB2_2:
.Ltmp3:
0x217: {  	(pc) =	sbr.rel .LBB2_5-.Ltmp3, $2  }
0x218: {  	_ =	sdelay $0x2  }
0x219: {  	s31 =	stileid.u32;
	s1 =	simm.s32 $0x40  }
.Lfunc_end2:
_tile_overlayer_lowered:
.L_overlay_start_2:
0x21a: {  	(tag) =	ssettag $0x2  }
0x21b: {  	s0 =	rddreg [dreg:$0x0];
	s2 =	stileid.u32  }
0x21c: {  	s1 =	rddreg [dreg:$0x1];
	p0 =	sne.s32 s2, $0x0  }
0x21d: {  	s3 =	rddreg [dreg:$0x2];
	[bflag:$0x3] =	sbarrier.arrive $0xFFFF;
	s2 =	simm.s32 @!p0 $0x1C0A  }
0x21e: {  	[timem:s3], [sflag:s2] =	dma.local @!p0 [hbm:s0], s1  }
0x21f: {  	s0 =	simm.s32 @!p0 $0xA  }
0x220: {  	_ =	swait.ge @!p0 [sflag:s0], s1  }
0x221: {  	s1 =	ssub.s32 @!p0 $0x0, s1;
	[sflag:s0] =	ssyncset.done @!p0 $0x0  }
0x222: {  	[sflag:s0] =	ssyncadd.s32 @!p0 s1  }
0x223: {  	[bflag:$0x3] =	sbarrier.arrive $0xFFFF  }
0x224: {  	_ =	shalt  }

</sc_bundles>
